<compile_context>
chip_gen: v7x
topology: tpu7x:2x2x1
jax: 0.10.2.dev20260603
libtpu: 0.0.44.dev20260713+nightly
codegen_flags: <defaults>
</compile_context>

<pallas_src>
import functools

import jax
import jax.numpy as jnp
from jax import lax
from jax.experimental import pallas as pl
from jax.experimental.pallas import tpu as pltpu
from jax.experimental.pallas import tpu_sc as plsc

N = 10000
E = 320000
F_IN = 128
H = 256
D_EMB = 128
G = 64

NPAD = 10240
NC = 2
NS = 16
NW = NC * NS
B = 128
NB = 80
EPAD = NW * NB * B
FAST_C = 1
NB_F = 114
NB_S = 46
RPT = NPAD // NS

_mesh = plsc.VectorSubcoreMesh(
    core_axis_name="c", subcore_axis_name="s", num_cores=NC, num_subcores=NS)


def _deg_body(edges_hbm, zeros_hbm, ones_hbm, out_hbm, eb, ones_v, acc):
    c = lax.axis_index("c")
    s = lax.axis_index("s")
    wid = s * NC + c
    pltpu.sync_copy(zeros_hbm.at[pl.ds(s * RPT, RPT)], acc.at[pl.ds(s * RPT, RPT)])
    pltpu.sync_copy(ones_hbm, ones_v)
    plsc.subcore_barrier()

    def step(i, carry):
        pltpu.sync_copy(edges_hbm.at[wid, i], eb)
        pltpu.sync_copy(ones_v, acc.at[eb.at[1]], add=True)
        return carry

    lax.fori_loop(0, NB_S, step, 0)

    @pl.when(c == FAST_C)
    def _():
        lax.fori_loop(NB_S, NB_F, step, 0)
    plsc.subcore_barrier()
    pltpu.sync_copy(acc.at[pl.ds(s * RPT, RPT)], out_hbm.at[c, pl.ds(s * RPT, RPT)])


_deg_kernel = functools.partial(
    pl.kernel,
    out_type=jax.ShapeDtypeStruct((NC, NPAD, 128), jnp.float32),
    mesh=_mesh,
    scratch_types=[
        pltpu.VMEM((2, B), jnp.int32),
        pltpu.VMEM((B, 128), jnp.float32),
        pltpu.VMEM_SHARED((NPAD, 128), jnp.float32),
    ],
)(_deg_body)


def _aggp_body(edges_hbm, p_hbm, zeros_hbm, out_hbm, eb, rows, acc, gsem):
    c = lax.axis_index("c")
    s = lax.axis_index("s")
    wid = s * NC + c
    pltpu.sync_copy(zeros_hbm.at[pl.ds(s * RPT, RPT)], acc.at[pl.ds(s * RPT, RPT)])
    plsc.subcore_barrier()

    def step(i, carry):
        pltpu.sync_copy(edges_hbm.at[wid, i], eb)
        pltpu.async_copy(p_hbm.at[eb.at[0]], rows, gsem).wait()
        pltpu.sync_copy(rows, acc.at[eb.at[1]], add=True)
        return carry

    lax.fori_loop(0, NB_S, step, 0)

    @pl.when(c == FAST_C)
    def _():
        lax.fori_loop(NB_S, NB_F, step, 0)
    plsc.subcore_barrier()
    pltpu.sync_copy(acc.at[pl.ds(s * RPT, RPT)], out_hbm.at[c, pl.ds(s * RPT, RPT)])


_aggp_kernel = functools.partial(
    pl.kernel,
    out_type=jax.ShapeDtypeStruct((NC, NPAD, 256), jnp.bfloat16),
    mesh=_mesh,
    compiler_params=pltpu.CompilerParams(use_tc_tiling_on_sc=False),
    scratch_types=[
        pltpu.VMEM((2, B), jnp.int32),
        pltpu.VMEM((B, 256), jnp.bfloat16),
        pltpu.VMEM_SHARED((NPAD, 256), jnp.bfloat16),
        pltpu.SemaphoreType.DMA,
    ],
)(_aggp_body)


_agg1_kernel = functools.partial(
    pl.kernel,
    out_type=jax.ShapeDtypeStruct((NC, NPAD, 128), jnp.float32),
    mesh=_mesh,
    scratch_types=[
        pltpu.VMEM((2, B), jnp.int32),
        pltpu.VMEM((B, 128), jnp.float32),
        pltpu.VMEM_SHARED((NPAD, 128), jnp.float32),
        pltpu.SemaphoreType.DMA,
    ],
)(_aggp_body)


_RB = 2560


def _prep_body(deg_ref, x_ref, w1_ref, dinv_ref, p_ref):
    degsum = deg_ref[0] + deg_ref[1]
    deg = degsum[:, 0:1] + 1.0
    dinv = lax.rsqrt(deg)
    dinv_ref[...] = jnp.broadcast_to(dinv, (_RB, 128))
    h = jnp.dot(x_ref[...], w1_ref[...], preferred_element_type=jnp.float32)
    h = h * dinv
    p_ref[...] = h.astype(jnp.bfloat16)


def _prep(deg, x_pad, W1):
    row_spec = pl.BlockSpec((_RB, 128), lambda i: (i, 0))
    return pl.pallas_call(
        _prep_body,
        grid=(NPAD // _RB,),
        in_specs=[
            pl.BlockSpec((NC, _RB, 128), lambda i: (0, i, 0)),
            row_spec,
            pl.BlockSpec((F_IN, H), lambda i: (0, 0)),
        ],
        out_specs=[row_spec, pl.BlockSpec((_RB, H), lambda i: (i, 0))],
        out_shape=[
            jax.ShapeDtypeStruct((NPAD, 128), jnp.float32),
            jax.ShapeDtypeStruct((NPAD, H), jnp.bfloat16),
        ],
    )(deg, x_pad, W1)


def _combine2_body(a_ref, p_ref, dinv_ref, b_ref, w_ref, q_ref):
    dinv = dinv_ref[...]
    agg = (a_ref[0].astype(jnp.float32) + a_ref[1].astype(jnp.float32)
           + p_ref[...].astype(jnp.float32))
    h = agg * dinv[:, 0:1] + b_ref[...]
    h = jnp.maximum(h, 0.0)
    q = jnp.dot(h, w_ref[...], preferred_element_type=jnp.float32) * dinv[:, 0:1]
    q_ref[...] = q.astype(jnp.bfloat16)


def _combine3_body(a_ref, p_ref, dinv_ref, b_ref, w_ref, q_ref):
    dinv = dinv_ref[...]
    agg = (a_ref[0].astype(jnp.float32) + a_ref[1].astype(jnp.float32)
           + p_ref[...].astype(jnp.float32))
    h = agg * dinv[:, 0:1] + b_ref[...]
    h = jnp.maximum(h, 0.0)
    q_ref[...] = jnp.dot(h, w_ref[...], preferred_element_type=jnp.float32) * dinv


def _combine(a, p, dinv_b, b_vec, W, body, out_shape):
    grid = (NPAD // _RB,)
    w_last = W.shape[1]
    row_spec = pl.BlockSpec((_RB, 128), lambda i: (i, 0))
    pk_spec = pl.BlockSpec((_RB, H), lambda i: (i, 0))
    out_spec = pk_spec if out_shape[0].dtype == jnp.bfloat16 else row_spec
    return pl.pallas_call(
        body,
        grid=grid,
        in_specs=[
            pl.BlockSpec((NC, _RB, H), lambda i: (0, i, 0)),
            pk_spec, row_spec,
            pl.BlockSpec((1, H), lambda i: (0, 0)),
            pl.BlockSpec((H, w_last), lambda i: (0, 0)),
        ],
        out_specs=[out_spec],
        out_shape=out_shape,
    )(a, p, dinv_b, b_vec, W)


def _final_body(a_ref, p_ref, dinv_ref, b_ref, batch_ref, out_ref):
    h = (a_ref[0] + a_ref[1] + p_ref[...]) * dinv_ref[...] + b_ref[...]
    bvec = batch_ref[...]
    seg = lax.broadcasted_iota(jnp.int32, (G, NPAD), 0)
    m = (jnp.broadcast_to(bvec, (G, NPAD)) == seg).astype(jnp.float32)
    summ = jnp.dot(m, h, preferred_element_type=jnp.float32)
    cnt = jnp.sum(m, axis=1, keepdims=True)
    pooled = summ / jnp.maximum(cnt, 1.0)
    nrm = jnp.sqrt(jnp.sum(pooled * pooled, axis=1, keepdims=True))
    out_ref[...] = pooled / jnp.maximum(nrm, 1e-12)


def _final(a, p, dinv_b, b_vec, batch_2d):
    return pl.pallas_call(
        _final_body,
        out_shape=jax.ShapeDtypeStruct((G, D_EMB), jnp.float32),
    )(a, p, dinv_b, b_vec, batch_2d)


def kernel(x, edge_index, batch, W1, b1, W2, b2, W3, b3):
    f32 = jnp.float32
    bf16 = jnp.bfloat16
    i32 = jnp.int32
    pad_e = EPAD - E
    src = jnp.concatenate([edge_index[0], jnp.full((pad_e,), NPAD - 1, i32)])
    dst = jnp.concatenate([edge_index[1], jnp.full((pad_e,), NPAD - 1, i32)])
    es = jnp.stack([src, dst])
    nf = NS * NB_F * B
    fast = es[:, :nf].reshape(2, NS, NB_F, B).transpose(1, 2, 0, 3)
    slow = es[:, nf:].reshape(2, NS, NB_S, B).transpose(1, 2, 0, 3)
    slow = jnp.concatenate(
        [slow, jnp.full((NS, NB_F - NB_S, 2, B), NPAD - 1, i32)], axis=1)
    per_core = [slow, fast] if FAST_C == 1 else [fast, slow]
    edges_w = jnp.stack(per_core, axis=1).reshape(NW, NB_F, 2, B)
    x_pad = jnp.concatenate([x, jnp.zeros((NPAD - N, F_IN), f32)], axis=0)
    batch_2d = jnp.concatenate([batch, jnp.full((NPAD - N,), G, i32)])[None, :]
    ones128 = jnp.ones((B, 128), f32)
    zeros128 = jnp.zeros((NPAD, 128), f32)
    zeros_pk = jnp.zeros((NPAD, H), bf16)

    deg = _deg_kernel(edges_w, zeros128, ones128)
    dinv_b, p1 = _prep(deg, x_pad, W1)

    a = _aggp_kernel(edges_w, p1, zeros_pk)
    (p2,) = _combine(
        a, p1, dinv_b, b1[None, :], W2, _combine2_body,
        [jax.ShapeDtypeStruct((NPAD, H), bf16)])

    a = _aggp_kernel(edges_w, p2, zeros_pk)
    (r0,) = _combine(
        a, p2, dinv_b, b2[None, :], W3, _combine3_body,
        [jax.ShapeDtypeStruct((NPAD, 128), f32)])

    a1 = _agg1_kernel(edges_w, r0, zeros128)
    return _final(a1, r0, dinv_b, b3[None, :], batch_2d)

# --- scband reference (transcript-rebuilt; emitter-appended) ---
"""Pipeline reference for scband-gnnclassifier-51591147159597 (READ-ONLY COPY).

The authoritative reference and input builder live on the scoring server;
editing this copy changes nothing except your own understanding.
"""

import jax, jax.numpy as jnp
import numpy as np

N = 10000
E = 320000
F_IN = 128
H = 256
D_EMB = 128
G = 64


def setup_inputs(seed: int = 0) -> dict:
    key = jax.random.key(seed)
    ks = jax.random.split(key, 10)
    x = jax.random.normal(ks[0], (N, F_IN), dtype=jnp.float32)
    edge_index = jax.random.randint(ks[1], (2, E), 0, N, dtype=jnp.int32)
    batch = jnp.sort(jax.random.randint(ks[2], (N,), 0, G, dtype=jnp.int32))
    W1 = jax.random.normal(ks[3], (F_IN, H), dtype=jnp.float32) * (1.0 / np.sqrt(F_IN))
    b1 = jnp.zeros((H,), dtype=jnp.float32)
    W2 = jax.random.normal(ks[4], (H, H), dtype=jnp.float32) * (1.0 / np.sqrt(H))
    b2 = jnp.zeros((H,), dtype=jnp.float32)
    W3 = jax.random.normal(ks[5], (H, D_EMB), dtype=jnp.float32) * (1.0 / np.sqrt(H))
    b3 = jnp.zeros((D_EMB,), dtype=jnp.float32)
    return {"x": x, "edge_index": edge_index, "batch": batch,
            "W1": W1, "b1": b1, "W2": W2, "b2": b2, "W3": W3, "b3": b3}


def _gcn_conv(x, src, dst, W, b, n):
    # GCNConv: h = D^{-1/2} (A + I) D^{-1/2} (x W) + b  (self-loops already in src/dst)
    h = x @ W
    deg = jnp.zeros((n,), dtype=x.dtype).at[dst].add(1.0)
    dinv = jnp.where(deg > 0, 1.0 / jnp.sqrt(deg), 0.0)
    norm = dinv[src] * dinv[dst]
    msgs = h[src] * norm[:, None]
    out = jnp.zeros((n, h.shape[1]), dtype=x.dtype).at[dst].add(msgs)
    return out + b


def reference(x, edge_index, batch, W1, b1, W2, b2, W3, b3):
    loops = jnp.arange(N, dtype=edge_index.dtype)
    src = jnp.concatenate([edge_index[0], loops])
    dst = jnp.concatenate([edge_index[1], loops])
    h = jax.nn.relu(_gcn_conv(x, src, dst, W1, b1, N))
    # dropout is identity in eval mode
    h = jax.nn.relu(_gcn_conv(h, src, dst, W2, b2, N))
    h = _gcn_conv(h, src, dst, W3, b3, N)
    # global_mean_pool over batch segment ids
    cnt = jax.ops.segment_sum(jnp.ones((N,), dtype=h.dtype), batch, num_segments=G)
    summ = jax.ops.segment_sum(h, batch, num_segments=G)
    pooled = summ / jnp.maximum(cnt, 1.0)[:, None]
    # F.normalize(p=2, dim=1, eps=1e-12)
    nrm = jnp.sqrt(jnp.sum(pooled * pooled, axis=1, keepdims=True))
    return pooled / jnp.maximum(nrm, 1e-12)

if __name__ == "__main__":
    import jax
    _d = setup_inputs()
    print(jax.jit(kernel)(*tuple(_d.values())))

</pallas_src>

<mosaic_0001>
#map = affine_map<(d0, d1) -> (0, 0, 0, 0)>
#map1 = affine_map<(d0, d1) -> (0, 0)>
#map2 = affine_map<(d0, d1) -> (0, 0, 0)>
module attributes {stable_mosaic.version = 14 : i64} {
  func.func @_aggp_body(%arg0: i32, %arg1: i32, %arg2: memref<32x114x2x128xi32, #tpu.memory_space<hbm>>, %arg3: memref<10240x128xf32, #tpu.memory_space<hbm>>, %arg4: memref<10240x128xf32, #tpu.memory_space<hbm>>, %arg5: memref<2x10240x128xf32, #tpu.memory_space<hbm>>, %arg6: memref<2x128xi32, #tpu.memory_space<vmem>>, %arg7: memref<128x128xf32, #tpu.memory_space<vmem>>, %arg8: memref<10240x128xf32, #tpu.memory_space<vmem_shared>>, %arg9: memref<!tpu.dma_semaphore, #tpu.memory_space<semaphore_mem>>) attributes {dimension_semantics = [#tpu.dimension_semantics<core_parallel>, #tpu.dimension_semantics<subcore_parallel>], iteration_bounds = array<i64: 2, 16>, scalar_prefetch = 0 : i64, scratch_operands = 4 : i64, tpu.core_type = #tpu.core_type<sc_vector_subcore>, window_params = [{transform_indices = #map}, {transform_indices = #map1}, {transform_indices = #map1}, {transform_indices = #map2}]} {
    %mul3A = arith.constant 2 : i32
    %mul3A_0 = arith.muli %arg1, %mul3A : i32
    %add3A = arith.addi %mul3A_0, %arg0 : i32
    %mul3A_1 = arith.constant 640 : i32
    %mul3A_2 = arith.muli %arg1, %mul3A_1 : i32
    %mul3A_3 = arith.constant 640 : i32
    %mul3A_4 = arith.muli %arg1, %mul3A_3 : i32
    "tpu.region"() ({
      %run_scoped3A = tpu.sem_alloc : memref<!tpu.dma_semaphore, #tpu.memory_space<semaphore_mem>>
      %dma_start3A = arith.constant 0 : i32
      %dma_start3A_17 = tpu.memref_slice %arg8[%mul3A_4, %dma_start3A] : memref<10240x128xf32, #tpu.memory_space<vmem_shared>> -> memref<640x128xf32, #tpu.memory_space<vmem_shared>>
      %dma_start3A_18 = arith.constant 0 : i32
      %dma_start3A_19 = tpu.memref_slice %arg4[%mul3A_2, %dma_start3A_18] : memref<10240x128xf32, #tpu.memory_space<hbm>> -> memref<640x128xf32, #tpu.memory_space<hbm>>
      tpu.enqueue_dma source(%dma_start3A_19 : memref<640x128xf32, #tpu.memory_space<hbm>>) target(%dma_start3A_17 : memref<640x128xf32, #tpu.memory_space<vmem_shared>>) target_semaphore(%run_scoped3A : memref<!tpu.dma_semaphore, #tpu.memory_space<semaphore_mem>>)
      %dma_wait3A = arith.constant 0 : i32
      %dma_wait3A_20 = tpu.memref_slice %arg8[%mul3A_4, %dma_wait3A] : memref<10240x128xf32, #tpu.memory_space<vmem_shared>> -> memref<640x128xf32, #tpu.memory_space<vmem_shared>>
      %dma_wait3A_21 = arith.constant 0 : i32
      %dma_wait3A_22 = tpu.memref_slice %arg4[%mul3A_2, %dma_wait3A_21] : memref<10240x128xf32, #tpu.memory_space<hbm>> -> memref<640x128xf32, #tpu.memory_space<hbm>>
      tpu.wait_dma2 semaphore(%run_scoped3A : memref<!tpu.dma_semaphore, #tpu.memory_space<semaphore_mem>>) src(%dma_wait3A_22 : memref<640x128xf32, #tpu.memory_space<hbm>>) dst(%dma_wait3A_20 : memref<640x128xf32, #tpu.memory_space<vmem_shared>>)
      tpu.yield
    }) : () -> ()
    %barrier3A = arith.constant 0 : index
    tpu.barrier barrier_id(%barrier3A)
    %scan3A = arith.constant 0 : i32
    %scan3A_5 = arith.constant 0 : i32
    %scan3A_6 = arith.constant 46 : i32
    %scan3A_7 = arith.addi %scan3A_5, %scan3A_6 : i32
    %scan3A_8 = arith.constant 1 : i32
    scf.for %scan3A_17 = %scan3A_5 to %scan3A_7 step %scan3A_8  : i32 {
      "tpu.region"() ({
        %run_scoped3A_30 = tpu.sem_alloc : memref<!tpu.dma_semaphore, #tpu.memory_space<semaphore_mem>>
        %dma_start3A_31 = arith.constant 0 : i32
        %dma_start3A_32 = arith.constant 0 : i32
        %dma_start3A_33 = tpu.memref_slice %arg2[%add3A, %scan3A_17, %dma_start3A_31, %dma_start3A_32] : memref<32x114x2x128xi32, #tpu.memory_space<hbm>> -> memref<1x1x2x128xi32, #tpu.memory_space<hbm>>
        %dma_start3A_34 = tpu.memref_squeeze %dma_start3A_33 : memref<1x1x2x128xi32, #tpu.memory_space<hbm>> -> memref<2x128xi32, #tpu.memory_space<hbm>>
        %dma_start3A_35 = arith.constant 0 : i32
        %dma_start3A_36 = arith.constant 0 : i32
        %dma_start3A_37 = tpu.memref_slice %arg2[%add3A, %scan3A_17, %dma_start3A_35, %dma_start3A_36] : memref<32x114x2x128xi32, #tpu.memory_space<hbm>> -> memref<1x1x2x128xi32, #tpu.memory_space<hbm>>
        %dma_start3A_38 = tpu.memref_squeeze %dma_start3A_37 : memref<1x1x2x128xi32, #tpu.memory_space<hbm>> -> memref<2x128xi32, #tpu.memory_space<hbm>>
        tpu.enqueue_dma source(%dma_start3A_38 : memref<2x128xi32, #tpu.memory_space<hbm>>) target(%arg6 : memref<2x128xi32, #tpu.memory_space<vmem>>) target_semaphore(%run_scoped3A_30 : memref<!tpu.dma_semaphore, #tpu.memory_space<semaphore_mem>>)
        %dma_wait3A_39 = arith.constant 0 : i32
        %dma_wait3A_40 = arith.constant 0 : i32
        %dma_wait3A_41 = tpu.memref_slice %arg2[%add3A, %scan3A_17, %dma_wait3A_39, %dma_wait3A_40] : memref<32x114x2x128xi32, #tpu.memory_space<hbm>> -> memref<1x1x2x128xi32, #tpu.memory_space<hbm>>
        %dma_wait3A_42 = tpu.memref_squeeze %dma_wait3A_41 : memref<1x1x2x128xi32, #tpu.memory_space<hbm>> -> memref<2x128xi32, #tpu.memory_space<hbm>>
        %dma_wait3A_43 = arith.constant 0 : i32
        %dma_wait3A_44 = arith.constant 0 : i32
        %dma_wait3A_45 = tpu.memref_slice %arg2[%add3A, %scan3A_17, %dma_wait3A_43, %dma_wait3A_44] : memref<32x114x2x128xi32, #tpu.memory_space<hbm>> -> memref<1x1x2x128xi32, #tpu.memory_space<hbm>>
        %dma_wait3A_46 = tpu.memref_squeeze %dma_wait3A_45 : memref<1x1x2x128xi32, #tpu.memory_space<hbm>> -> memref<2x128xi32, #tpu.memory_space<hbm>>
        tpu.wait_dma2 semaphore(%run_scoped3A_30 : memref<!tpu.dma_semaphore, #tpu.memory_space<semaphore_mem>>) src(%dma_wait3A_46 : memref<2x128xi32, #tpu.memory_space<hbm>>) dst(%arg6 : memref<2x128xi32, #tpu.memory_space<vmem>>)
        tpu.yield
      }) : () -> ()
      %dma_start3A = arith.constant 0 : i32
      %dma_start3A_18 = arith.constant 0 : i32
      %dma_start3A_19 = tpu.memref_slice %arg6[%dma_start3A, %dma_start3A_18] : memref<2x128xi32, #tpu.memory_space<vmem>> -> memref<1x128xi32, #tpu.memory_space<vmem>>
      %dma_start3A_20 = tpu.memref_squeeze %dma_start3A_19 : memref<1x128xi32, #tpu.memory_space<vmem>> -> memref<128xi32, #tpu.memory_space<vmem>>
      %dma_start3A_21 = arith.constant 0 : i32
      %dma_start3A_22 = arith.constant 0 : i32
      %dma_start3A_23 = tpu.memref_slice %arg3[%dma_start3A_21, %dma_start3A_22] : memref<10240x128xf32, #tpu.memory_space<hbm>> -> memref<10240x128xf32, #tpu.memory_space<hbm>>
      tpu.enqueue_indirect_dma source(%dma_start3A_23 : memref<10240x128xf32, #tpu.memory_space<hbm>>) target(%arg7 : memref<128x128xf32, #tpu.memory_space<vmem>>) offsets(%dma_start3A_20 : memref<128xi32, #tpu.memory_space<vmem>>) semaphore(%arg9 : memref<!tpu.dma_semaphore, #tpu.memory_space<semaphore_mem>>)
      %dma_wait3A = arith.constant 0 : i32
      %dma_wait3A_24 = arith.constant 0 : i32
      %dma_wait3A_25 = tpu.memref_slice %arg6[%dma_wait3A, %dma_wait3A_24] : memref<2x128xi32, #tpu.memory_space<vmem>> -> memref<1x128xi32, #tpu.memory_space<vmem>>
      %dma_wait3A_26 = tpu.memref_squeeze %dma_wait3A_25 : memref<1x128xi32, #tpu.memory_space<vmem>> -> memref<128xi32, #tpu.memory_space<vmem>>
      %dma_wait3A_27 = arith.constant 0 : i32
      %dma_wait3A_28 = arith.constant 0 : i32
      %dma_wait3A_29 = tpu.memref_slice %arg3[%dma_wait3A_27, %dma_wait3A_28] : memref<10240x128xf32, #tpu.memory_space<hbm>> -> memref<10240x128xf32, #tpu.memory_space<hbm>>
      tpu.wait_indirect_dma semaphore(%arg9 : memref<!tpu.dma_semaphore, #tpu.memory_space<semaphore_mem>>) src(%dma_wait3A_29 : memref<10240x128xf32, #tpu.memory_space<hbm>>) dst(%arg7 : memref<128x128xf32, #tpu.memory_space<vmem>>)
      %run_scoped3A = arith.constant 1 : i32
      "tpu.region"() ({
        %run_scoped3A_30 = tpu.sem_alloc : memref<!tpu.dma_semaphore, #tpu.memory_space<semaphore_mem>>
        %dma_start3A_31 = arith.constant 0 : i32
        %dma_start3A_32 = tpu.memref_slice %arg6[%run_scoped3A, %dma_start3A_31] : memref<2x128xi32, #tpu.memory_space<vmem>> -> memref<1x128xi32, #tpu.memory_space<vmem>>
        %dma_start3A_33 = tpu.memref_squeeze %dma_start3A_32 : memref<1x128xi32, #tpu.memory_space<vmem>> -> memref<128xi32, #tpu.memory_space<vmem>>
        %dma_start3A_34 = arith.constant 0 : i32
        %dma_start3A_35 = arith.constant 0 : i32
        %dma_start3A_36 = tpu.memref_slice %arg8[%dma_start3A_34, %dma_start3A_35] : memref<10240x128xf32, #tpu.memory_space<vmem_shared>> -> memref<10240x128xf32, #tpu.memory_space<vmem_shared>>
        tpu.enqueue_indirect_dma source(%arg7 : memref<128x128xf32, #tpu.memory_space<vmem>>) target(%dma_start3A_36 : memref<10240x128xf32, #tpu.memory_space<vmem_shared>>) offsets(%dma_start3A_33 : memref<128xi32, #tpu.memory_space<vmem>>) semaphore(%run_scoped3A_30 : memref<!tpu.dma_semaphore, #tpu.memory_space<semaphore_mem>>) {add = true}
        %dma_wait3A_37 = arith.constant 0 : i32
        %dma_wait3A_38 = tpu.memref_slice %arg6[%run_scoped3A, %dma_wait3A_37] : memref<2x128xi32, #tpu.memory_space<vmem>> -> memref<1x128xi32, #tpu.memory_space<vmem>>
        %dma_wait3A_39 = tpu.memref_squeeze %dma_wait3A_38 : memref<1x128xi32, #tpu.memory_space<vmem>> -> memref<128xi32, #tpu.memory_space<vmem>>
        %dma_wait3A_40 = arith.constant 0 : i32
        %dma_wait3A_41 = arith.constant 0 : i32
        %dma_wait3A_42 = tpu.memref_slice %arg8[%dma_wait3A_40, %dma_wait3A_41] : memref<10240x128xf32, #tpu.memory_space<vmem_shared>> -> memref<10240x128xf32, #tpu.memory_space<vmem_shared>>
        tpu.wait_indirect_dma semaphore(%run_scoped3A_30 : memref<!tpu.dma_semaphore, #tpu.memory_space<semaphore_mem>>) src(%arg7 : memref<128x128xf32, #tpu.memory_space<vmem>>) dst(%dma_wait3A_42 : memref<10240x128xf32, #tpu.memory_space<vmem_shared>>)
        tpu.yield
      }) : () -> ()
    }
    %scan3A_9 = arith.constant 46 : i32
    %eq3A = arith.constant 1 : i32
    %eq3A_10 = arith.cmpi eq, %arg0, %eq3A : i32
    %convert_element_type3A = arith.extui %eq3A_10 : i1 to i32
    %cond3A = arith.constant 0 : i32
    %cond3A_11 = arith.cmpi ne, %convert_element_type3A, %cond3A : i32
    scf.if %cond3A_11 {
      %scan3A_17 = arith.constant 0 : i32
      %scan3A_18 = arith.constant 46 : i32
      %scan3A_19 = arith.constant 68 : i32
      %scan3A_20 = arith.addi %scan3A_18, %scan3A_19 : i32
      %scan3A_21 = arith.constant 1 : i32
      scf.for %scan3A_23 = %scan3A_18 to %scan3A_20 step %scan3A_21  : i32 {
        "tpu.region"() ({
          %run_scoped3A_36 = tpu.sem_alloc : memref<!tpu.dma_semaphore, #tpu.memory_space<semaphore_mem>>
          %dma_start3A_37 = arith.constant 0 : i32
          %dma_start3A_38 = arith.constant 0 : i32
          %dma_start3A_39 = tpu.memref_slice %arg2[%add3A, %scan3A_23, %dma_start3A_37, %dma_start3A_38] : memref<32x114x2x128xi32, #tpu.memory_space<hbm>> -> memref<1x1x2x128xi32, #tpu.memory_space<hbm>>
          %dma_start3A_40 = tpu.memref_squeeze %dma_start3A_39 : memref<1x1x2x128xi32, #tpu.memory_space<hbm>> -> memref<2x128xi32, #tpu.memory_space<hbm>>
          %dma_start3A_41 = arith.constant 0 : i32
          %dma_start3A_42 = arith.constant 0 : i32
          %dma_start3A_43 = tpu.memref_slice %arg2[%add3A, %scan3A_23, %dma_start3A_41, %dma_start3A_42] : memref<32x114x2x128xi32, #tpu.memory_space<hbm>> -> memref<1x1x2x128xi32, #tpu.memory_space<hbm>>
          %dma_start3A_44 = tpu.memref_squeeze %dma_start3A_43 : memref<1x1x2x128xi32, #tpu.memory_space<hbm>> -> memref<2x128xi32, #tpu.memory_space<hbm>>
          tpu.enqueue_dma source(%dma_start3A_44 : memref<2x128xi32, #tpu.memory_space<hbm>>) target(%arg6 : memref<2x128xi32, #tpu.memory_space<vmem>>) target_semaphore(%run_scoped3A_36 : memref<!tpu.dma_semaphore, #tpu.memory_space<semaphore_mem>>)
          %dma_wait3A_45 = arith.constant 0 : i32
          %dma_wait3A_46 = arith.constant 0 : i32
          %dma_wait3A_47 = tpu.memref_slice %arg2[%add3A, %scan3A_23, %dma_wait3A_45, %dma_wait3A_46] : memref<32x114x2x128xi32, #tpu.memory_space<hbm>> -> memref<1x1x2x128xi32, #tpu.memory_space<hbm>>
          %dma_wait3A_48 = tpu.memref_squeeze %dma_wait3A_47 : memref<1x1x2x128xi32, #tpu.memory_space<hbm>> -> memref<2x128xi32, #tpu.memory_space<hbm>>
          %dma_wait3A_49 = arith.constant 0 : i32
          %dma_wait3A_50 = arith.constant 0 : i32
          %dma_wait3A_51 = tpu.memref_slice %arg2[%add3A, %scan3A_23, %dma_wait3A_49, %dma_wait3A_50] : memref<32x114x2x128xi32, #tpu.memory_space<hbm>> -> memref<1x1x2x128xi32, #tpu.memory_space<hbm>>
          %dma_wait3A_52 = tpu.memref_squeeze %dma_wait3A_51 : memref<1x1x2x128xi32, #tpu.memory_space<hbm>> -> memref<2x128xi32, #tpu.memory_space<hbm>>
          tpu.wait_dma2 semaphore(%run_scoped3A_36 : memref<!tpu.dma_semaphore, #tpu.memory_space<semaphore_mem>>) src(%dma_wait3A_52 : memref<2x128xi32, #tpu.memory_space<hbm>>) dst(%arg6 : memref<2x128xi32, #tpu.memory_space<vmem>>)
          tpu.yield
        }) : () -> ()
        %dma_start3A = arith.constant 0 : i32
        %dma_start3A_24 = arith.constant 0 : i32
        %dma_start3A_25 = tpu.memref_slice %arg6[%dma_start3A, %dma_start3A_24] : memref<2x128xi32, #tpu.memory_space<vmem>> -> memref<1x128xi32, #tpu.memory_space<vmem>>
        %dma_start3A_26 = tpu.memref_squeeze %dma_start3A_25 : memref<1x128xi32, #tpu.memory_space<vmem>> -> memref<128xi32, #tpu.memory_space<vmem>>
        %dma_start3A_27 = arith.constant 0 : i32
        %dma_start3A_28 = arith.constant 0 : i32
        %dma_start3A_29 = tpu.memref_slice %arg3[%dma_start3A_27, %dma_start3A_28] : memref<10240x128xf32, #tpu.memory_space<hbm>> -> memref<10240x128xf32, #tpu.memory_space<hbm>>
        tpu.enqueue_indirect_dma source(%dma_start3A_29 : memref<10240x128xf32, #tpu.memory_space<hbm>>) target(%arg7 : memref<128x128xf32, #tpu.memory_space<vmem>>) offsets(%dma_start3A_26 : memref<128xi32, #tpu.memory_space<vmem>>) semaphore(%arg9 : memref<!tpu.dma_semaphore, #tpu.memory_space<semaphore_mem>>)
        %dma_wait3A = arith.constant 0 : i32
        %dma_wait3A_30 = arith.constant 0 : i32
        %dma_wait3A_31 = tpu.memref_slice %arg6[%dma_wait3A, %dma_wait3A_30] : memref<2x128xi32, #tpu.memory_space<vmem>> -> memref<1x128xi32, #tpu.memory_space<vmem>>
        %dma_wait3A_32 = tpu.memref_squeeze %dma_wait3A_31 : memref<1x128xi32, #tpu.memory_space<vmem>> -> memref<128xi32, #tpu.memory_space<vmem>>
        %dma_wait3A_33 = arith.constant 0 : i32
        %dma_wait3A_34 = arith.constant 0 : i32
        %dma_wait3A_35 = tpu.memref_slice %arg3[%dma_wait3A_33, %dma_wait3A_34] : memref<10240x128xf32, #tpu.memory_space<hbm>> -> memref<10240x128xf32, #tpu.memory_space<hbm>>
        tpu.wait_indirect_dma semaphore(%arg9 : memref<!tpu.dma_semaphore, #tpu.memory_space<semaphore_mem>>) src(%dma_wait3A_35 : memref<10240x128xf32, #tpu.memory_space<hbm>>) dst(%arg7 : memref<128x128xf32, #tpu.memory_space<vmem>>)
        %run_scoped3A = arith.constant 1 : i32
        "tpu.region"() ({
          %run_scoped3A_36 = tpu.sem_alloc : memref<!tpu.dma_semaphore, #tpu.memory_space<semaphore_mem>>
          %dma_start3A_37 = arith.constant 0 : i32
          %dma_start3A_38 = tpu.memref_slice %arg6[%run_scoped3A, %dma_start3A_37] : memref<2x128xi32, #tpu.memory_space<vmem>> -> memref<1x128xi32, #tpu.memory_space<vmem>>
          %dma_start3A_39 = tpu.memref_squeeze %dma_start3A_38 : memref<1x128xi32, #tpu.memory_space<vmem>> -> memref<128xi32, #tpu.memory_space<vmem>>
          %dma_start3A_40 = arith.constant 0 : i32
          %dma_start3A_41 = arith.constant 0 : i32
          %dma_start3A_42 = tpu.memref_slice %arg8[%dma_start3A_40, %dma_start3A_41] : memref<10240x128xf32, #tpu.memory_space<vmem_shared>> -> memref<10240x128xf32, #tpu.memory_space<vmem_shared>>
          tpu.enqueue_indirect_dma source(%arg7 : memref<128x128xf32, #tpu.memory_space<vmem>>) target(%dma_start3A_42 : memref<10240x128xf32, #tpu.memory_space<vmem_shared>>) offsets(%dma_start3A_39 : memref<128xi32, #tpu.memory_space<vmem>>) semaphore(%run_scoped3A_36 : memref<!tpu.dma_semaphore, #tpu.memory_space<semaphore_mem>>) {add = true}
          %dma_wait3A_43 = arith.constant 0 : i32
          %dma_wait3A_44 = tpu.memref_slice %arg6[%run_scoped3A, %dma_wait3A_43] : memref<2x128xi32, #tpu.memory_space<vmem>> -> memref<1x128xi32, #tpu.memory_space<vmem>>
          %dma_wait3A_45 = tpu.memref_squeeze %dma_wait3A_44 : memref<1x128xi32, #tpu.memory_space<vmem>> -> memref<128xi32, #tpu.memory_space<vmem>>
          %dma_wait3A_46 = arith.constant 0 : i32
          %dma_wait3A_47 = arith.constant 0 : i32
          %dma_wait3A_48 = tpu.memref_slice %arg8[%dma_wait3A_46, %dma_wait3A_47] : memref<10240x128xf32, #tpu.memory_space<vmem_shared>> -> memref<10240x128xf32, #tpu.memory_space<vmem_shared>>
          tpu.wait_indirect_dma semaphore(%run_scoped3A_36 : memref<!tpu.dma_semaphore, #tpu.memory_space<semaphore_mem>>) src(%arg7 : memref<128x128xf32, #tpu.memory_space<vmem>>) dst(%dma_wait3A_48 : memref<10240x128xf32, #tpu.memory_space<vmem_shared>>)
          tpu.yield
        }) : () -> ()
      }
      %scan3A_22 = arith.constant 68 : i32
    } else {
    }
    %barrier3A_12 = arith.constant 0 : index
    tpu.barrier barrier_id(%barrier3A_12)
    %mul3A_13 = arith.constant 640 : i32
    %mul3A_14 = arith.muli %arg1, %mul3A_13 : i32
    %mul3A_15 = arith.constant 640 : i32
    %mul3A_16 = arith.muli %arg1, %mul3A_15 : i32
    "tpu.region"() ({
      %run_scoped3A = tpu.sem_alloc : memref<!tpu.dma_semaphore, #tpu.memory_space<semaphore_mem>>
      %dma_start3A = arith.constant 0 : i32
      %dma_start3A_17 = tpu.memref_slice %arg5[%arg0, %mul3A_16, %dma_start3A] : memref<2x10240x128xf32, #tpu.memory_space<hbm>> -> memref<1x640x128xf32, #tpu.memory_space<hbm>>
      %dma_start3A_18 = tpu.memref_squeeze %dma_start3A_17 : memref<1x640x128xf32, #tpu.memory_space<hbm>> -> memref<640x128xf32, #tpu.memory_space<hbm>>
      %dma_start3A_19 = arith.constant 0 : i32
      %dma_start3A_20 = tpu.memref_slice %arg8[%mul3A_14, %dma_start3A_19] : memref<10240x128xf32, #tpu.memory_space<vmem_shared>> -> memref<640x128xf32, #tpu.memory_space<vmem_shared>>
      tpu.enqueue_dma source(%dma_start3A_20 : memref<640x128xf32, #tpu.memory_space<vmem_shared>>) target(%dma_start3A_18 : memref<640x128xf32, #tpu.memory_space<hbm>>) target_semaphore(%run_scoped3A : memref<!tpu.dma_semaphore, #tpu.memory_space<semaphore_mem>>)
      %dma_wait3A = arith.constant 0 : i32
      %dma_wait3A_21 = tpu.memref_slice %arg5[%arg0, %mul3A_16, %dma_wait3A] : memref<2x10240x128xf32, #tpu.memory_space<hbm>> -> memref<1x640x128xf32, #tpu.memory_space<hbm>>
      %dma_wait3A_22 = tpu.memref_squeeze %dma_wait3A_21 : memref<1x640x128xf32, #tpu.memory_space<hbm>> -> memref<640x128xf32, #tpu.memory_space<hbm>>
      %dma_wait3A_23 = arith.constant 0 : i32
      %dma_wait3A_24 = tpu.memref_slice %arg8[%mul3A_14, %dma_wait3A_23] : memref<10240x128xf32, #tpu.memory_space<vmem_shared>> -> memref<640x128xf32, #tpu.memory_space<vmem_shared>>
      tpu.wait_dma2 semaphore(%run_scoped3A : memref<!tpu.dma_semaphore, #tpu.memory_space<semaphore_mem>>) src(%dma_wait3A_24 : memref<640x128xf32, #tpu.memory_space<vmem_shared>>) dst(%dma_wait3A_22 : memref<640x128xf32, #tpu.memory_space<hbm>>)
      tpu.yield
    }) : () -> ()
    return
  }
}

#map = affine_map<(d0, d1) -> (0, 0, 0, 0)>
#map1 = affine_map<(d0, d1) -> (0, 0)>
#map2 = affine_map<(d0, d1) -> (0, 0, 0)>
module attributes {stable_mosaic.version = 14 : i64} {
  func.func @_aggp_body(%arg0: i32, %arg1: i32, %arg2: memref<32x114x2x128xi32, #tpu.memory_space<hbm>>, %arg3: memref<10240x256xbf16, #tpu.memory_space<hbm>>, %arg4: memref<10240x256xbf16, #tpu.memory_space<hbm>>, %arg5: memref<2x10240x256xbf16, #tpu.memory_space<hbm>>, %arg6: memref<2x128xi32, #tpu.memory_space<vmem>>, %arg7: memref<128x256xbf16, #tpu.memory_space<vmem>>, %arg8: memref<10240x256xbf16, #tpu.memory_space<vmem_shared>>, %arg9: memref<!tpu.dma_semaphore, #tpu.memory_space<semaphore_mem>>) attributes {dimension_semantics = [#tpu.dimension_semantics<core_parallel>, #tpu.dimension_semantics<subcore_parallel>], iteration_bounds = array<i64: 2, 16>, scalar_prefetch = 0 : i64, scratch_operands = 4 : i64, tpu.core_type = #tpu.core_type<sc_vector_subcore>, window_params = [{transform_indices = #map}, {transform_indices = #map1}, {transform_indices = #map1}, {transform_indices = #map2}]} {
    %mul3A = arith.constant 2 : i32
    %mul3A_0 = arith.muli %arg1, %mul3A : i32
    %add3A = arith.addi %mul3A_0, %arg0 : i32
    %mul3A_1 = arith.constant 640 : i32
    %mul3A_2 = arith.muli %arg1, %mul3A_1 : i32
    %mul3A_3 = arith.constant 640 : i32
    %mul3A_4 = arith.muli %arg1, %mul3A_3 : i32
    "tpu.region"() ({
      %run_scoped3A = tpu.sem_alloc : memref<!tpu.dma_semaphore, #tpu.memory_space<semaphore_mem>>
      %dma_start3A = arith.constant 0 : i32
      %dma_start3A_17 = tpu.memref_slice %arg8[%mul3A_4, %dma_start3A] : memref<10240x256xbf16, #tpu.memory_space<vmem_shared>> -> memref<640x256xbf16, #tpu.memory_space<vmem_shared>>
      %dma_start3A_18 = arith.constant 0 : i32
      %dma_start3A_19 = tpu.memref_slice %arg4[%mul3A_2, %dma_start3A_18] : memref<10240x256xbf16, #tpu.memory_space<hbm>> -> memref<640x256xbf16, #tpu.memory_space<hbm>>
      tpu.enqueue_dma source(%dma_start3A_19 : memref<640x256xbf16, #tpu.memory_space<hbm>>) target(%dma_start3A_17 : memref<640x256xbf16, #tpu.memory_space<vmem_shared>>) target_semaphore(%run_scoped3A : memref<!tpu.dma_semaphore, #tpu.memory_space<semaphore_mem>>)
      %dma_wait3A = arith.constant 0 : i32
      %dma_wait3A_20 = tpu.memref_slice %arg8[%mul3A_4, %dma_wait3A] : memref<10240x256xbf16, #tpu.memory_space<vmem_shared>> -> memref<640x256xbf16, #tpu.memory_space<vmem_shared>>
      %dma_wait3A_21 = arith.constant 0 : i32
      %dma_wait3A_22 = tpu.memref_slice %arg4[%mul3A_2, %dma_wait3A_21] : memref<10240x256xbf16, #tpu.memory_space<hbm>> -> memref<640x256xbf16, #tpu.memory_space<hbm>>
      tpu.wait_dma2 semaphore(%run_scoped3A : memref<!tpu.dma_semaphore, #tpu.memory_space<semaphore_mem>>) src(%dma_wait3A_22 : memref<640x256xbf16, #tpu.memory_space<hbm>>) dst(%dma_wait3A_20 : memref<640x256xbf16, #tpu.memory_space<vmem_shared>>)
      tpu.yield
    }) : () -> ()
    %barrier3A = arith.constant 0 : index
    tpu.barrier barrier_id(%barrier3A)
    %scan3A = arith.constant 0 : i32
    %scan3A_5 = arith.constant 0 : i32
    %scan3A_6 = arith.constant 46 : i32
    %scan3A_7 = arith.addi %scan3A_5, %scan3A_6 : i32
    %scan3A_8 = arith.constant 1 : i32
    scf.for %scan3A_17 = %scan3A_5 to %scan3A_7 step %scan3A_8  : i32 {
      "tpu.region"() ({
        %run_scoped3A_30 = tpu.sem_alloc : memref<!tpu.dma_semaphore, #tpu.memory_space<semaphore_mem>>
        %dma_start3A_31 = arith.constant 0 : i32
        %dma_start3A_32 = arith.constant 0 : i32
        %dma_start3A_33 = tpu.memref_slice %arg2[%add3A, %scan3A_17, %dma_start3A_31, %dma_start3A_32] : memref<32x114x2x128xi32, #tpu.memory_space<hbm>> -> memref<1x1x2x128xi32, #tpu.memory_space<hbm>>
        %dma_start3A_34 = tpu.memref_squeeze %dma_start3A_33 : memref<1x1x2x128xi32, #tpu.memory_space<hbm>> -> memref<2x128xi32, #tpu.memory_space<hbm>>
        %dma_start3A_35 = arith.constant 0 : i32
        %dma_start3A_36 = arith.constant 0 : i32
        %dma_start3A_37 = tpu.memref_slice %arg2[%add3A, %scan3A_17, %dma_start3A_35, %dma_start3A_36] : memref<32x114x2x128xi32, #tpu.memory_space<hbm>> -> memref<1x1x2x128xi32, #tpu.memory_space<hbm>>
        %dma_start3A_38 = tpu.memref_squeeze %dma_start3A_37 : memref<1x1x2x128xi32, #tpu.memory_space<hbm>> -> memref<2x128xi32, #tpu.memory_space<hbm>>
        tpu.enqueue_dma source(%dma_start3A_38 : memref<2x128xi32, #tpu.memory_space<hbm>>) target(%arg6 : memref<2x128xi32, #tpu.memory_space<vmem>>) target_semaphore(%run_scoped3A_30 : memref<!tpu.dma_semaphore, #tpu.memory_space<semaphore_mem>>)
        %dma_wait3A_39 = arith.constant 0 : i32
        %dma_wait3A_40 = arith.constant 0 : i32
        %dma_wait3A_41 = tpu.memref_slice %arg2[%add3A, %scan3A_17, %dma_wait3A_39, %dma_wait3A_40] : memref<32x114x2x128xi32, #tpu.memory_space<hbm>> -> memref<1x1x2x128xi32, #tpu.memory_space<hbm>>
        %dma_wait3A_42 = tpu.memref_squeeze %dma_wait3A_41 : memref<1x1x2x128xi32, #tpu.memory_space<hbm>> -> memref<2x128xi32, #tpu.memory_space<hbm>>
        %dma_wait3A_43 = arith.constant 0 : i32
        %dma_wait3A_44 = arith.constant 0 : i32
        %dma_wait3A_45 = tpu.memref_slice %arg2[%add3A, %scan3A_17, %dma_wait3A_43, %dma_wait3A_44] : memref<32x114x2x128xi32, #tpu.memory_space<hbm>> -> memref<1x1x2x128xi32, #tpu.memory_space<hbm>>
        %dma_wait3A_46 = tpu.memref_squeeze %dma_wait3A_45 : memref<1x1x2x128xi32, #tpu.memory_space<hbm>> -> memref<2x128xi32, #tpu.memory_space<hbm>>
        tpu.wait_dma2 semaphore(%run_scoped3A_30 : memref<!tpu.dma_semaphore, #tpu.memory_space<semaphore_mem>>) src(%dma_wait3A_46 : memref<2x128xi32, #tpu.memory_space<hbm>>) dst(%arg6 : memref<2x128xi32, #tpu.memory_space<vmem>>)
        tpu.yield
      }) : () -> ()
      %dma_start3A = arith.constant 0 : i32
      %dma_start3A_18 = arith.constant 0 : i32
      %dma_start3A_19 = tpu.memref_slice %arg6[%dma_start3A, %dma_start3A_18] : memref<2x128xi32, #tpu.memory_space<vmem>> -> memref<1x128xi32, #tpu.memory_space<vmem>>
      %dma_start3A_20 = tpu.memref_squeeze %dma_start3A_19 : memref<1x128xi32, #tpu.memory_space<vmem>> -> memref<128xi32, #tpu.memory_space<vmem>>
      %dma_start3A_21 = arith.constant 0 : i32
      %dma_start3A_22 = arith.constant 0 : i32
      %dma_start3A_23 = tpu.memref_slice %arg3[%dma_start3A_21, %dma_start3A_22] : memref<10240x256xbf16, #tpu.memory_space<hbm>> -> memref<10240x256xbf16, #tpu.memory_space<hbm>>
      tpu.enqueue_indirect_dma source(%dma_start3A_23 : memref<10240x256xbf16, #tpu.memory_space<hbm>>) target(%arg7 : memref<128x256xbf16, #tpu.memory_space<vmem>>) offsets(%dma_start3A_20 : memref<128xi32, #tpu.memory_space<vmem>>) semaphore(%arg9 : memref<!tpu.dma_semaphore, #tpu.memory_space<semaphore_mem>>)
      %dma_wait3A = arith.constant 0 : i32
      %dma_wait3A_24 = arith.constant 0 : i32
      %dma_wait3A_25 = tpu.memref_slice %arg6[%dma_wait3A, %dma_wait3A_24] : memref<2x128xi32, #tpu.memory_space<vmem>> -> memref<1x128xi32, #tpu.memory_space<vmem>>
      %dma_wait3A_26 = tpu.memref_squeeze %dma_wait3A_25 : memref<1x128xi32, #tpu.memory_space<vmem>> -> memref<128xi32, #tpu.memory_space<vmem>>
      %dma_wait3A_27 = arith.constant 0 : i32
      %dma_wait3A_28 = arith.constant 0 : i32
      %dma_wait3A_29 = tpu.memref_slice %arg3[%dma_wait3A_27, %dma_wait3A_28] : memref<10240x256xbf16, #tpu.memory_space<hbm>> -> memref<10240x256xbf16, #tpu.memory_space<hbm>>
      tpu.wait_indirect_dma semaphore(%arg9 : memref<!tpu.dma_semaphore, #tpu.memory_space<semaphore_mem>>) src(%dma_wait3A_29 : memref<10240x256xbf16, #tpu.memory_space<hbm>>) dst(%arg7 : memref<128x256xbf16, #tpu.memory_space<vmem>>)
      %run_scoped3A = arith.constant 1 : i32
      "tpu.region"() ({
        %run_scoped3A_30 = tpu.sem_alloc : memref<!tpu.dma_semaphore, #tpu.memory_space<semaphore_mem>>
        %dma_start3A_31 = arith.constant 0 : i32
        %dma_start3A_32 = tpu.memref_slice %arg6[%run_scoped3A, %dma_start3A_31] : memref<2x128xi32, #tpu.memory_space<vmem>> -> memref<1x128xi32, #tpu.memory_space<vmem>>
        %dma_start3A_33 = tpu.memref_squeeze %dma_start3A_32 : memref<1x128xi32, #tpu.memory_space<vmem>> -> memref<128xi32, #tpu.memory_space<vmem>>
        %dma_start3A_34 = arith.constant 0 : i32
        %dma_start3A_35 = arith.constant 0 : i32
        %dma_start3A_36 = tpu.memref_slice %arg8[%dma_start3A_34, %dma_start3A_35] : memref<10240x256xbf16, #tpu.memory_space<vmem_shared>> -> memref<10240x256xbf16, #tpu.memory_space<vmem_shared>>
        tpu.enqueue_indirect_dma source(%arg7 : memref<128x256xbf16, #tpu.memory_space<vmem>>) target(%dma_start3A_36 : memref<10240x256xbf16, #tpu.memory_space<vmem_shared>>) offsets(%dma_start3A_33 : memref<128xi32, #tpu.memory_space<vmem>>) semaphore(%run_scoped3A_30 : memref<!tpu.dma_semaphore, #tpu.memory_space<semaphore_mem>>) {add = true}
        %dma_wait3A_37 = arith.constant 0 : i32
        %dma_wait3A_38 = tpu.memref_slice %arg6[%run_scoped3A, %dma_wait3A_37] : memref<2x128xi32, #tpu.memory_space<vmem>> -> memref<1x128xi32, #tpu.memory_space<vmem>>
        %dma_wait3A_39 = tpu.memref_squeeze %dma_wait3A_38 : memref<1x128xi32, #tpu.memory_space<vmem>> -> memref<128xi32, #tpu.memory_space<vmem>>
        %dma_wait3A_40 = arith.constant 0 : i32
        %dma_wait3A_41 = arith.constant 0 : i32
        %dma_wait3A_42 = tpu.memref_slice %arg8[%dma_wait3A_40, %dma_wait3A_41] : memref<10240x256xbf16, #tpu.memory_space<vmem_shared>> -> memref<10240x256xbf16, #tpu.memory_space<vmem_shared>>
        tpu.wait_indirect_dma semaphore(%run_scoped3A_30 : memref<!tpu.dma_semaphore, #tpu.memory_space<semaphore_mem>>) src(%arg7 : memref<128x256xbf16, #tpu.memory_space<vmem>>) dst(%dma_wait3A_42 : memref<10240x256xbf16, #tpu.memory_space<vmem_shared>>)
        tpu.yield
      }) : () -> ()
    }
    %scan3A_9 = arith.constant 46 : i32
    %eq3A = arith.constant 1 : i32
    %eq3A_10 = arith.cmpi eq, %arg0, %eq3A : i32
    %convert_element_type3A = arith.extui %eq3A_10 : i1 to i32
    %cond3A = arith.constant 0 : i32
    %cond3A_11 = arith.cmpi ne, %convert_element_type3A, %cond3A : i32
    scf.if %cond3A_11 {
      %scan3A_17 = arith.constant 0 : i32
      %scan3A_18 = arith.constant 46 : i32
      %scan3A_19 = arith.constant 68 : i32
      %scan3A_20 = arith.addi %scan3A_18, %scan3A_19 : i32
      %scan3A_21 = arith.constant 1 : i32
      scf.for %scan3A_23 = %scan3A_18 to %scan3A_20 step %scan3A_21  : i32 {
        "tpu.region"() ({
          %run_scoped3A_36 = tpu.sem_alloc : memref<!tpu.dma_semaphore, #tpu.memory_space<semaphore_mem>>
          %dma_start3A_37 = arith.constant 0 : i32
          %dma_start3A_38 = arith.constant 0 : i32
          %dma_start3A_39 = tpu.memref_slice %arg2[%add3A, %scan3A_23, %dma_start3A_37, %dma_start3A_38] : memref<32x114x2x128xi32, #tpu.memory_space<hbm>> -> memref<1x1x2x128xi32, #tpu.memory_space<hbm>>
          %dma_start3A_40 = tpu.memref_squeeze %dma_start3A_39 : memref<1x1x2x128xi32, #tpu.memory_space<hbm>> -> memref<2x128xi32, #tpu.memory_space<hbm>>
          %dma_start3A_41 = arith.constant 0 : i32
          %dma_start3A_42 = arith.constant 0 : i32
          %dma_start3A_43 = tpu.memref_slice %arg2[%add3A, %scan3A_23, %dma_start3A_41, %dma_start3A_42] : memref<32x114x2x128xi32, #tpu.memory_space<hbm>> -> memref<1x1x2x128xi32, #tpu.memory_space<hbm>>
          %dma_start3A_44 = tpu.memref_squeeze %dma_start3A_43 : memref<1x1x2x128xi32, #tpu.memory_space<hbm>> -> memref<2x128xi32, #tpu.memory_space<hbm>>
          tpu.enqueue_dma source(%dma_start3A_44 : memref<2x128xi32, #tpu.memory_space<hbm>>) target(%arg6 : memref<2x128xi32, #tpu.memory_space<vmem>>) target_semaphore(%run_scoped3A_36 : memref<!tpu.dma_semaphore, #tpu.memory_space<semaphore_mem>>)
          %dma_wait3A_45 = arith.constant 0 : i32
          %dma_wait3A_46 = arith.constant 0 : i32
          %dma_wait3A_47 = tpu.memref_slice %arg2[%add3A, %scan3A_23, %dma_wait3A_45, %dma_wait3A_46] : memref<32x114x2x128xi32, #tpu.memory_space<hbm>> -> memref<1x1x2x128xi32, #tpu.memory_space<hbm>>
          %dma_wait3A_48 = tpu.memref_squeeze %dma_wait3A_47 : memref<1x1x2x128xi32, #tpu.memory_space<hbm>> -> memref<2x128xi32, #tpu.memory_space<hbm>>
          %dma_wait3A_49 = arith.constant 0 : i32
          %dma_wait3A_50 = arith.constant 0 : i32
          %dma_wait3A_51 = tpu.memref_slice %arg2[%add3A, %scan3A_23, %dma_wait3A_49, %dma_wait3A_50] : memref<32x114x2x128xi32, #tpu.memory_space<hbm>> -> memref<1x1x2x128xi32, #tpu.memory_space<hbm>>
          %dma_wait3A_52 = tpu.memref_squeeze %dma_wait3A_51 : memref<1x1x2x128xi32, #tpu.memory_space<hbm>> -> memref<2x128xi32, #tpu.memory_space<hbm>>
          tpu.wait_dma2 semaphore(%run_scoped3A_36 : memref<!tpu.dma_semaphore, #tpu.memory_space<semaphore_mem>>) src(%dma_wait3A_52 : memref<2x128xi32, #tpu.memory_space<hbm>>) dst(%arg6 : memref<2x128xi32, #tpu.memory_space<vmem>>)
          tpu.yield
        }) : () -> ()
        %dma_start3A = arith.constant 0 : i32
        %dma_start3A_24 = arith.constant 0 : i32
        %dma_start3A_25 = tpu.memref_slice %arg6[%dma_start3A, %dma_start3A_24] : memref<2x128xi32, #tpu.memory_space<vmem>> -> memref<1x128xi32, #tpu.memory_space<vmem>>
        %dma_start3A_26 = tpu.memref_squeeze %dma_start3A_25 : memref<1x128xi32, #tpu.memory_space<vmem>> -> memref<128xi32, #tpu.memory_space<vmem>>
        %dma_start3A_27 = arith.constant 0 : i32
        %dma_start3A_28 = arith.constant 0 : i32
        %dma_start3A_29 = tpu.memref_slice %arg3[%dma_start3A_27, %dma_start3A_28] : memref<10240x256xbf16, #tpu.memory_space<hbm>> -> memref<10240x256xbf16, #tpu.memory_space<hbm>>
        tpu.enqueue_indirect_dma source(%dma_start3A_29 : memref<10240x256xbf16, #tpu.memory_space<hbm>>) target(%arg7 : memref<128x256xbf16, #tpu.memory_space<vmem>>) offsets(%dma_start3A_26 : memref<128xi32, #tpu.memory_space<vmem>>) semaphore(%arg9 : memref<!tpu.dma_semaphore, #tpu.memory_space<semaphore_mem>>)
        %dma_wait3A = arith.constant 0 : i32
        %dma_wait3A_30 = arith.constant 0 : i32
        %dma_wait3A_31 = tpu.memref_slice %arg6[%dma_wait3A, %dma_wait3A_30] : memref<2x128xi32, #tpu.memory_space<vmem>> -> memref<1x128xi32, #tpu.memory_space<vmem>>
        %dma_wait3A_32 = tpu.memref_squeeze %dma_wait3A_31 : memref<1x128xi32, #tpu.memory_space<vmem>> -> memref<128xi32, #tpu.memory_space<vmem>>
        %dma_wait3A_33 = arith.constant 0 : i32
        %dma_wait3A_34 = arith.constant 0 : i32
        %dma_wait3A_35 = tpu.memref_slice %arg3[%dma_wait3A_33, %dma_wait3A_34] : memref<10240x256xbf16, #tpu.memory_space<hbm>> -> memref<10240x256xbf16, #tpu.memory_space<hbm>>
        tpu.wait_indirect_dma semaphore(%arg9 : memref<!tpu.dma_semaphore, #tpu.memory_space<semaphore_mem>>) src(%dma_wait3A_35 : memref<10240x256xbf16, #tpu.memory_space<hbm>>) dst(%arg7 : memref<128x256xbf16, #tpu.memory_space<vmem>>)
        %run_scoped3A = arith.constant 1 : i32
        "tpu.region"() ({
          %run_scoped3A_36 = tpu.sem_alloc : memref<!tpu.dma_semaphore, #tpu.memory_space<semaphore_mem>>
          %dma_start3A_37 = arith.constant 0 : i32
          %dma_start3A_38 = tpu.memref_slice %arg6[%run_scoped3A, %dma_start3A_37] : memref<2x128xi32, #tpu.memory_space<vmem>> -> memref<1x128xi32, #tpu.memory_space<vmem>>
          %dma_start3A_39 = tpu.memref_squeeze %dma_start3A_38 : memref<1x128xi32, #tpu.memory_space<vmem>> -> memref<128xi32, #tpu.memory_space<vmem>>
          %dma_start3A_40 = arith.constant 0 : i32
          %dma_start3A_41 = arith.constant 0 : i32
          %dma_start3A_42 = tpu.memref_slice %arg8[%dma_start3A_40, %dma_start3A_41] : memref<10240x256xbf16, #tpu.memory_space<vmem_shared>> -> memref<10240x256xbf16, #tpu.memory_space<vmem_shared>>
          tpu.enqueue_indirect_dma source(%arg7 : memref<128x256xbf16, #tpu.memory_space<vmem>>) target(%dma_start3A_42 : memref<10240x256xbf16, #tpu.memory_space<vmem_shared>>) offsets(%dma_start3A_39 : memref<128xi32, #tpu.memory_space<vmem>>) semaphore(%run_scoped3A_36 : memref<!tpu.dma_semaphore, #tpu.memory_space<semaphore_mem>>) {add = true}
          %dma_wait3A_43 = arith.constant 0 : i32
          %dma_wait3A_44 = tpu.memref_slice %arg6[%run_scoped3A, %dma_wait3A_43] : memref<2x128xi32, #tpu.memory_space<vmem>> -> memref<1x128xi32, #tpu.memory_space<vmem>>
          %dma_wait3A_45 = tpu.memref_squeeze %dma_wait3A_44 : memref<1x128xi32, #tpu.memory_space<vmem>> -> memref<128xi32, #tpu.memory_space<vmem>>
          %dma_wait3A_46 = arith.constant 0 : i32
          %dma_wait3A_47 = arith.constant 0 : i32
          %dma_wait3A_48 = tpu.memref_slice %arg8[%dma_wait3A_46, %dma_wait3A_47] : memref<10240x256xbf16, #tpu.memory_space<vmem_shared>> -> memref<10240x256xbf16, #tpu.memory_space<vmem_shared>>
          tpu.wait_indirect_dma semaphore(%run_scoped3A_36 : memref<!tpu.dma_semaphore, #tpu.memory_space<semaphore_mem>>) src(%arg7 : memref<128x256xbf16, #tpu.memory_space<vmem>>) dst(%dma_wait3A_48 : memref<10240x256xbf16, #tpu.memory_space<vmem_shared>>)
          tpu.yield
        }) : () -> ()
      }
      %scan3A_22 = arith.constant 68 : i32
    } else {
    }
    %barrier3A_12 = arith.constant 0 : index
    tpu.barrier barrier_id(%barrier3A_12)
    %mul3A_13 = arith.constant 640 : i32
    %mul3A_14 = arith.muli %arg1, %mul3A_13 : i32
    %mul3A_15 = arith.constant 640 : i32
    %mul3A_16 = arith.muli %arg1, %mul3A_15 : i32
    "tpu.region"() ({
      %run_scoped3A = tpu.sem_alloc : memref<!tpu.dma_semaphore, #tpu.memory_space<semaphore_mem>>
      %dma_start3A = arith.constant 0 : i32
      %dma_start3A_17 = tpu.memref_slice %arg5[%arg0, %mul3A_16, %dma_start3A] : memref<2x10240x256xbf16, #tpu.memory_space<hbm>> -> memref<1x640x256xbf16, #tpu.memory_space<hbm>>
      %dma_start3A_18 = tpu.memref_squeeze %dma_start3A_17 : memref<1x640x256xbf16, #tpu.memory_space<hbm>> -> memref<640x256xbf16, #tpu.memory_space<hbm>>
      %dma_start3A_19 = arith.constant 0 : i32
      %dma_start3A_20 = tpu.memref_slice %arg8[%mul3A_14, %dma_start3A_19] : memref<10240x256xbf16, #tpu.memory_space<vmem_shared>> -> memref<640x256xbf16, #tpu.memory_space<vmem_shared>>
      tpu.enqueue_dma source(%dma_start3A_20 : memref<640x256xbf16, #tpu.memory_space<vmem_shared>>) target(%dma_start3A_18 : memref<640x256xbf16, #tpu.memory_space<hbm>>) target_semaphore(%run_scoped3A : memref<!tpu.dma_semaphore, #tpu.memory_space<semaphore_mem>>)
      %dma_wait3A = arith.constant 0 : i32
      %dma_wait3A_21 = tpu.memref_slice %arg5[%arg0, %mul3A_16, %dma_wait3A] : memref<2x10240x256xbf16, #tpu.memory_space<hbm>> -> memref<1x640x256xbf16, #tpu.memory_space<hbm>>
      %dma_wait3A_22 = tpu.memref_squeeze %dma_wait3A_21 : memref<1x640x256xbf16, #tpu.memory_space<hbm>> -> memref<640x256xbf16, #tpu.memory_space<hbm>>
      %dma_wait3A_23 = arith.constant 0 : i32
      %dma_wait3A_24 = tpu.memref_slice %arg8[%mul3A_14, %dma_wait3A_23] : memref<10240x256xbf16, #tpu.memory_space<vmem_shared>> -> memref<640x256xbf16, #tpu.memory_space<vmem_shared>>
      tpu.wait_dma2 semaphore(%run_scoped3A : memref<!tpu.dma_semaphore, #tpu.memory_space<semaphore_mem>>) src(%dma_wait3A_24 : memref<640x256xbf16, #tpu.memory_space<vmem_shared>>) dst(%dma_wait3A_22 : memref<640x256xbf16, #tpu.memory_space<hbm>>)
      tpu.yield
    }) : () -> ()
    return
  }
}

#map = affine_map<(d0, d1) -> (0, 0, 0, 0)>
#map1 = affine_map<(d0, d1) -> (0, 0)>
#map2 = affine_map<(d0, d1) -> (0, 0, 0)>
module attributes {stable_mosaic.version = 14 : i64} {
  func.func @_deg_body(%arg0: i32, %arg1: i32, %arg2: memref<32x114x2x128xi32, #tpu.memory_space<hbm>>, %arg3: memref<10240x128xf32, #tpu.memory_space<hbm>>, %arg4: memref<128x128xf32, #tpu.memory_space<hbm>>, %arg5: memref<2x10240x128xf32, #tpu.memory_space<hbm>>, %arg6: memref<2x128xi32, #tpu.memory_space<vmem>>, %arg7: memref<128x128xf32, #tpu.memory_space<vmem>>, %arg8: memref<10240x128xf32, #tpu.memory_space<vmem_shared>>) attributes {dimension_semantics = [#tpu.dimension_semantics<core_parallel>, #tpu.dimension_semantics<subcore_parallel>], iteration_bounds = array<i64: 2, 16>, scalar_prefetch = 0 : i64, scratch_operands = 3 : i64, tpu.core_type = #tpu.core_type<sc_vector_subcore>, window_params = [{transform_indices = #map}, {transform_indices = #map1}, {transform_indices = #map1}, {transform_indices = #map2}]} {
    %mul3A = arith.constant 2 : i32
    %mul3A_0 = arith.muli %arg1, %mul3A : i32
    %add3A = arith.addi %mul3A_0, %arg0 : i32
    %mul3A_1 = arith.constant 640 : i32
    %mul3A_2 = arith.muli %arg1, %mul3A_1 : i32
    %mul3A_3 = arith.constant 640 : i32
    %mul3A_4 = arith.muli %arg1, %mul3A_3 : i32
    "tpu.region"() ({
      %run_scoped3A = tpu.sem_alloc : memref<!tpu.dma_semaphore, #tpu.memory_space<semaphore_mem>>
      %dma_start3A = arith.constant 0 : i32
      %dma_start3A_17 = tpu.memref_slice %arg8[%mul3A_4, %dma_start3A] : memref<10240x128xf32, #tpu.memory_space<vmem_shared>> -> memref<640x128xf32, #tpu.memory_space<vmem_shared>>
      %dma_start3A_18 = arith.constant 0 : i32
      %dma_start3A_19 = tpu.memref_slice %arg3[%mul3A_2, %dma_start3A_18] : memref<10240x128xf32, #tpu.memory_space<hbm>> -> memref<640x128xf32, #tpu.memory_space<hbm>>
      tpu.enqueue_dma source(%dma_start3A_19 : memref<640x128xf32, #tpu.memory_space<hbm>>) target(%dma_start3A_17 : memref<640x128xf32, #tpu.memory_space<vmem_shared>>) target_semaphore(%run_scoped3A : memref<!tpu.dma_semaphore, #tpu.memory_space<semaphore_mem>>)
      %dma_wait3A = arith.constant 0 : i32
      %dma_wait3A_20 = tpu.memref_slice %arg8[%mul3A_4, %dma_wait3A] : memref<10240x128xf32, #tpu.memory_space<vmem_shared>> -> memref<640x128xf32, #tpu.memory_space<vmem_shared>>
      %dma_wait3A_21 = arith.constant 0 : i32
      %dma_wait3A_22 = tpu.memref_slice %arg3[%mul3A_2, %dma_wait3A_21] : memref<10240x128xf32, #tpu.memory_space<hbm>> -> memref<640x128xf32, #tpu.memory_space<hbm>>
      tpu.wait_dma2 semaphore(%run_scoped3A : memref<!tpu.dma_semaphore, #tpu.memory_space<semaphore_mem>>) src(%dma_wait3A_22 : memref<640x128xf32, #tpu.memory_space<hbm>>) dst(%dma_wait3A_20 : memref<640x128xf32, #tpu.memory_space<vmem_shared>>)
      tpu.yield
    }) : () -> ()
    "tpu.region"() ({
      %run_scoped3A = tpu.sem_alloc : memref<!tpu.dma_semaphore, #tpu.memory_space<semaphore_mem>>
      tpu.enqueue_dma source(%arg4 : memref<128x128xf32, #tpu.memory_space<hbm>>) target(%arg7 : memref<128x128xf32, #tpu.memory_space<vmem>>) target_semaphore(%run_scoped3A : memref<!tpu.dma_semaphore, #tpu.memory_space<semaphore_mem>>)
      tpu.wait_dma2 semaphore(%run_scoped3A : memref<!tpu.dma_semaphore, #tpu.memory_space<semaphore_mem>>) src(%arg4 : memref<128x128xf32, #tpu.memory_space<hbm>>) dst(%arg7 : memref<128x128xf32, #tpu.memory_space<vmem>>)
      tpu.yield
    }) : () -> ()
    %barrier3A = arith.constant 0 : index
    tpu.barrier barrier_id(%barrier3A)
    %scan3A = arith.constant 0 : i32
    %scan3A_5 = arith.constant 0 : i32
    %scan3A_6 = arith.constant 46 : i32
    %scan3A_7 = arith.addi %scan3A_5, %scan3A_6 : i32
    %scan3A_8 = arith.constant 1 : i32
    scf.for %scan3A_17 = %scan3A_5 to %scan3A_7 step %scan3A_8  : i32 {
      "tpu.region"() ({
        %run_scoped3A_18 = tpu.sem_alloc : memref<!tpu.dma_semaphore, #tpu.memory_space<semaphore_mem>>
        %dma_start3A = arith.constant 0 : i32
        %dma_start3A_19 = arith.constant 0 : i32
        %dma_start3A_20 = tpu.memref_slice %arg2[%add3A, %scan3A_17, %dma_start3A, %dma_start3A_19] : memref<32x114x2x128xi32, #tpu.memory_space<hbm>> -> memref<1x1x2x128xi32, #tpu.memory_space<hbm>>
        %dma_start3A_21 = tpu.memref_squeeze %dma_start3A_20 : memref<1x1x2x128xi32, #tpu.memory_space<hbm>> -> memref<2x128xi32, #tpu.memory_space<hbm>>
        %dma_start3A_22 = arith.constant 0 : i32
        %dma_start3A_23 = arith.constant 0 : i32
        %dma_start3A_24 = tpu.memref_slice %arg2[%add3A, %scan3A_17, %dma_start3A_22, %dma_start3A_23] : memref<32x114x2x128xi32, #tpu.memory_space<hbm>> -> memref<1x1x2x128xi32, #tpu.memory_space<hbm>>
        %dma_start3A_25 = tpu.memref_squeeze %dma_start3A_24 : memref<1x1x2x128xi32, #tpu.memory_space<hbm>> -> memref<2x128xi32, #tpu.memory_space<hbm>>
        tpu.enqueue_dma source(%dma_start3A_25 : memref<2x128xi32, #tpu.memory_space<hbm>>) target(%arg6 : memref<2x128xi32, #tpu.memory_space<vmem>>) target_semaphore(%run_scoped3A_18 : memref<!tpu.dma_semaphore, #tpu.memory_space<semaphore_mem>>)
        %dma_wait3A = arith.constant 0 : i32
        %dma_wait3A_26 = arith.constant 0 : i32
        %dma_wait3A_27 = tpu.memref_slice %arg2[%add3A, %scan3A_17, %dma_wait3A, %dma_wait3A_26] : memref<32x114x2x128xi32, #tpu.memory_space<hbm>> -> memref<1x1x2x128xi32, #tpu.memory_space<hbm>>
        %dma_wait3A_28 = tpu.memref_squeeze %dma_wait3A_27 : memref<1x1x2x128xi32, #tpu.memory_space<hbm>> -> memref<2x128xi32, #tpu.memory_space<hbm>>
        %dma_wait3A_29 = arith.constant 0 : i32
        %dma_wait3A_30 = arith.constant 0 : i32
        %dma_wait3A_31 = tpu.memref_slice %arg2[%add3A, %scan3A_17, %dma_wait3A_29, %dma_wait3A_30] : memref<32x114x2x128xi32, #tpu.memory_space<hbm>> -> memref<1x1x2x128xi32, #tpu.memory_space<hbm>>
        %dma_wait3A_32 = tpu.memref_squeeze %dma_wait3A_31 : memref<1x1x2x128xi32, #tpu.memory_space<hbm>> -> memref<2x128xi32, #tpu.memory_space<hbm>>
        tpu.wait_dma2 semaphore(%run_scoped3A_18 : memref<!tpu.dma_semaphore, #tpu.memory_space<semaphore_mem>>) src(%dma_wait3A_32 : memref<2x128xi32, #tpu.memory_space<hbm>>) dst(%arg6 : memref<2x128xi32, #tpu.memory_space<vmem>>)
        tpu.yield
      }) : () -> ()
      %run_scoped3A = arith.constant 1 : i32
      "tpu.region"() ({
        %run_scoped3A_18 = tpu.sem_alloc : memref<!tpu.dma_semaphore, #tpu.memory_space<semaphore_mem>>
        %dma_start3A = arith.constant 0 : i32
        %dma_start3A_19 = tpu.memref_slice %arg6[%run_scoped3A, %dma_start3A] : memref<2x128xi32, #tpu.memory_space<vmem>> -> memref<1x128xi32, #tpu.memory_space<vmem>>
        %dma_start3A_20 = tpu.memref_squeeze %dma_start3A_19 : memref<1x128xi32, #tpu.memory_space<vmem>> -> memref<128xi32, #tpu.memory_space<vmem>>
        %dma_start3A_21 = arith.constant 0 : i32
        %dma_start3A_22 = arith.constant 0 : i32
        %dma_start3A_23 = tpu.memref_slice %arg8[%dma_start3A_21, %dma_start3A_22] : memref<10240x128xf32, #tpu.memory_space<vmem_shared>> -> memref<10240x128xf32, #tpu.memory_space<vmem_shared>>
        tpu.enqueue_indirect_dma source(%arg7 : memref<128x128xf32, #tpu.memory_space<vmem>>) target(%dma_start3A_23 : memref<10240x128xf32, #tpu.memory_space<vmem_shared>>) offsets(%dma_start3A_20 : memref<128xi32, #tpu.memory_space<vmem>>) semaphore(%run_scoped3A_18 : memref<!tpu.dma_semaphore, #tpu.memory_space<semaphore_mem>>) {add = true}
        %dma_wait3A = arith.constant 0 : i32
        %dma_wait3A_24 = tpu.memref_slice %arg6[%run_scoped3A, %dma_wait3A] : memref<2x128xi32, #tpu.memory_space<vmem>> -> memref<1x128xi32, #tpu.memory_space<vmem>>
        %dma_wait3A_25 = tpu.memref_squeeze %dma_wait3A_24 : memref<1x128xi32, #tpu.memory_space<vmem>> -> memref<128xi32, #tpu.memory_space<vmem>>
        %dma_wait3A_26 = arith.constant 0 : i32
        %dma_wait3A_27 = arith.constant 0 : i32
        %dma_wait3A_28 = tpu.memref_slice %arg8[%dma_wait3A_26, %dma_wait3A_27] : memref<10240x128xf32, #tpu.memory_space<vmem_shared>> -> memref<10240x128xf32, #tpu.memory_space<vmem_shared>>
        tpu.wait_indirect_dma semaphore(%run_scoped3A_18 : memref<!tpu.dma_semaphore, #tpu.memory_space<semaphore_mem>>) src(%arg7 : memref<128x128xf32, #tpu.memory_space<vmem>>) dst(%dma_wait3A_28 : memref<10240x128xf32, #tpu.memory_space<vmem_shared>>)
        tpu.yield
      }) : () -> ()
    }
    %scan3A_9 = arith.constant 46 : i32
    %eq3A = arith.constant 1 : i32
    %eq3A_10 = arith.cmpi eq, %arg0, %eq3A : i32
    %convert_element_type3A = arith.extui %eq3A_10 : i1 to i32
    %cond3A = arith.constant 0 : i32
    %cond3A_11 = arith.cmpi ne, %convert_element_type3A, %cond3A : i32
    scf.if %cond3A_11 {
      %scan3A_17 = arith.constant 0 : i32
      %scan3A_18 = arith.constant 46 : i32
      %scan3A_19 = arith.constant 68 : i32
      %scan3A_20 = arith.addi %scan3A_18, %scan3A_19 : i32
      %scan3A_21 = arith.constant 1 : i32
      scf.for %scan3A_23 = %scan3A_18 to %scan3A_20 step %scan3A_21  : i32 {
        "tpu.region"() ({
          %run_scoped3A_24 = tpu.sem_alloc : memref<!tpu.dma_semaphore, #tpu.memory_space<semaphore_mem>>
          %dma_start3A = arith.constant 0 : i32
          %dma_start3A_25 = arith.constant 0 : i32
          %dma_start3A_26 = tpu.memref_slice %arg2[%add3A, %scan3A_23, %dma_start3A, %dma_start3A_25] : memref<32x114x2x128xi32, #tpu.memory_space<hbm>> -> memref<1x1x2x128xi32, #tpu.memory_space<hbm>>
          %dma_start3A_27 = tpu.memref_squeeze %dma_start3A_26 : memref<1x1x2x128xi32, #tpu.memory_space<hbm>> -> memref<2x128xi32, #tpu.memory_space<hbm>>
          %dma_start3A_28 = arith.constant 0 : i32
          %dma_start3A_29 = arith.constant 0 : i32
          %dma_start3A_30 = tpu.memref_slice %arg2[%add3A, %scan3A_23, %dma_start3A_28, %dma_start3A_29] : memref<32x114x2x128xi32, #tpu.memory_space<hbm>> -> memref<1x1x2x128xi32, #tpu.memory_space<hbm>>
          %dma_start3A_31 = tpu.memref_squeeze %dma_start3A_30 : memref<1x1x2x128xi32, #tpu.memory_space<hbm>> -> memref<2x128xi32, #tpu.memory_space<hbm>>
          tpu.enqueue_dma source(%dma_start3A_31 : memref<2x128xi32, #tpu.memory_space<hbm>>) target(%arg6 : memref<2x128xi32, #tpu.memory_space<vmem>>) target_semaphore(%run_scoped3A_24 : memref<!tpu.dma_semaphore, #tpu.memory_space<semaphore_mem>>)
          %dma_wait3A = arith.constant 0 : i32
          %dma_wait3A_32 = arith.constant 0 : i32
          %dma_wait3A_33 = tpu.memref_slice %arg2[%add3A, %scan3A_23, %dma_wait3A, %dma_wait3A_32] : memref<32x114x2x128xi32, #tpu.memory_space<hbm>> -> memref<1x1x2x128xi32, #tpu.memory_space<hbm>>
          %dma_wait3A_34 = tpu.memref_squeeze %dma_wait3A_33 : memref<1x1x2x128xi32, #tpu.memory_space<hbm>> -> memref<2x128xi32, #tpu.memory_space<hbm>>
          %dma_wait3A_35 = arith.constant 0 : i32
          %dma_wait3A_36 = arith.constant 0 : i32
          %dma_wait3A_37 = tpu.memref_slice %arg2[%add3A, %scan3A_23, %dma_wait3A_35, %dma_wait3A_36] : memref<32x114x2x128xi32, #tpu.memory_space<hbm>> -> memref<1x1x2x128xi32, #tpu.memory_space<hbm>>
          %dma_wait3A_38 = tpu.memref_squeeze %dma_wait3A_37 : memref<1x1x2x128xi32, #tpu.memory_space<hbm>> -> memref<2x128xi32, #tpu.memory_space<hbm>>
          tpu.wait_dma2 semaphore(%run_scoped3A_24 : memref<!tpu.dma_semaphore, #tpu.memory_space<semaphore_mem>>) src(%dma_wait3A_38 : memref<2x128xi32, #tpu.memory_space<hbm>>) dst(%arg6 : memref<2x128xi32, #tpu.memory_space<vmem>>)
          tpu.yield
        }) : () -> ()
        %run_scoped3A = arith.constant 1 : i32
        "tpu.region"() ({
          %run_scoped3A_24 = tpu.sem_alloc : memref<!tpu.dma_semaphore, #tpu.memory_space<semaphore_mem>>
          %dma_start3A = arith.constant 0 : i32
          %dma_start3A_25 = tpu.memref_slice %arg6[%run_scoped3A, %dma_start3A] : memref<2x128xi32, #tpu.memory_space<vmem>> -> memref<1x128xi32, #tpu.memory_space<vmem>>
          %dma_start3A_26 = tpu.memref_squeeze %dma_start3A_25 : memref<1x128xi32, #tpu.memory_space<vmem>> -> memref<128xi32, #tpu.memory_space<vmem>>
          %dma_start3A_27 = arith.constant 0 : i32
          %dma_start3A_28 = arith.constant 0 : i32
          %dma_start3A_29 = tpu.memref_slice %arg8[%dma_start3A_27, %dma_start3A_28] : memref<10240x128xf32, #tpu.memory_space<vmem_shared>> -> memref<10240x128xf32, #tpu.memory_space<vmem_shared>>
          tpu.enqueue_indirect_dma source(%arg7 : memref<128x128xf32, #tpu.memory_space<vmem>>) target(%dma_start3A_29 : memref<10240x128xf32, #tpu.memory_space<vmem_shared>>) offsets(%dma_start3A_26 : memref<128xi32, #tpu.memory_space<vmem>>) semaphore(%run_scoped3A_24 : memref<!tpu.dma_semaphore, #tpu.memory_space<semaphore_mem>>) {add = true}
          %dma_wait3A = arith.constant 0 : i32
          %dma_wait3A_30 = tpu.memref_slice %arg6[%run_scoped3A, %dma_wait3A] : memref<2x128xi32, #tpu.memory_space<vmem>> -> memref<1x128xi32, #tpu.memory_space<vmem>>
          %dma_wait3A_31 = tpu.memref_squeeze %dma_wait3A_30 : memref<1x128xi32, #tpu.memory_space<vmem>> -> memref<128xi32, #tpu.memory_space<vmem>>
          %dma_wait3A_32 = arith.constant 0 : i32
          %dma_wait3A_33 = arith.constant 0 : i32
          %dma_wait3A_34 = tpu.memref_slice %arg8[%dma_wait3A_32, %dma_wait3A_33] : memref<10240x128xf32, #tpu.memory_space<vmem_shared>> -> memref<10240x128xf32, #tpu.memory_space<vmem_shared>>
          tpu.wait_indirect_dma semaphore(%run_scoped3A_24 : memref<!tpu.dma_semaphore, #tpu.memory_space<semaphore_mem>>) src(%arg7 : memref<128x128xf32, #tpu.memory_space<vmem>>) dst(%dma_wait3A_34 : memref<10240x128xf32, #tpu.memory_space<vmem_shared>>)
          tpu.yield
        }) : () -> ()
      }
      %scan3A_22 = arith.constant 68 : i32
    } else {
    }
    %barrier3A_12 = arith.constant 0 : index
    tpu.barrier barrier_id(%barrier3A_12)
    %mul3A_13 = arith.constant 640 : i32
    %mul3A_14 = arith.muli %arg1, %mul3A_13 : i32
    %mul3A_15 = arith.constant 640 : i32
    %mul3A_16 = arith.muli %arg1, %mul3A_15 : i32
    "tpu.region"() ({
      %run_scoped3A = tpu.sem_alloc : memref<!tpu.dma_semaphore, #tpu.memory_space<semaphore_mem>>
      %dma_start3A = arith.constant 0 : i32
      %dma_start3A_17 = tpu.memref_slice %arg5[%arg0, %mul3A_16, %dma_start3A] : memref<2x10240x128xf32, #tpu.memory_space<hbm>> -> memref<1x640x128xf32, #tpu.memory_space<hbm>>
      %dma_start3A_18 = tpu.memref_squeeze %dma_start3A_17 : memref<1x640x128xf32, #tpu.memory_space<hbm>> -> memref<640x128xf32, #tpu.memory_space<hbm>>
      %dma_start3A_19 = arith.constant 0 : i32
      %dma_start3A_20 = tpu.memref_slice %arg8[%mul3A_14, %dma_start3A_19] : memref<10240x128xf32, #tpu.memory_space<vmem_shared>> -> memref<640x128xf32, #tpu.memory_space<vmem_shared>>
      tpu.enqueue_dma source(%dma_start3A_20 : memref<640x128xf32, #tpu.memory_space<vmem_shared>>) target(%dma_start3A_18 : memref<640x128xf32, #tpu.memory_space<hbm>>) target_semaphore(%run_scoped3A : memref<!tpu.dma_semaphore, #tpu.memory_space<semaphore_mem>>)
      %dma_wait3A = arith.constant 0 : i32
      %dma_wait3A_21 = tpu.memref_slice %arg5[%arg0, %mul3A_16, %dma_wait3A] : memref<2x10240x128xf32, #tpu.memory_space<hbm>> -> memref<1x640x128xf32, #tpu.memory_space<hbm>>
      %dma_wait3A_22 = tpu.memref_squeeze %dma_wait3A_21 : memref<1x640x128xf32, #tpu.memory_space<hbm>> -> memref<640x128xf32, #tpu.memory_space<hbm>>
      %dma_wait3A_23 = arith.constant 0 : i32
      %dma_wait3A_24 = tpu.memref_slice %arg8[%mul3A_14, %dma_wait3A_23] : memref<10240x128xf32, #tpu.memory_space<vmem_shared>> -> memref<640x128xf32, #tpu.memory_space<vmem_shared>>
      tpu.wait_dma2 semaphore(%run_scoped3A : memref<!tpu.dma_semaphore, #tpu.memory_space<semaphore_mem>>) src(%dma_wait3A_24 : memref<640x128xf32, #tpu.memory_space<vmem_shared>>) dst(%dma_wait3A_22 : memref<640x128xf32, #tpu.memory_space<hbm>>)
      tpu.yield
    }) : () -> ()
    return
  }
}

#map = affine_map<(d0, d1) -> (0, 0, 0, 0)>
#map1 = affine_map<(d0, d1) -> (0, 0)>
#map2 = affine_map<(d0, d1) -> (0, 0, 0)>
module attributes {stable_mosaic.version = 14 : i64} {
  func.func @_aggp_body(%arg0: i32, %arg1: i32, %arg2: memref<32x114x2x128xi32, #tpu.memory_space<hbm>>, %arg3: memref<10240x256xbf16, #tpu.memory_space<hbm>>, %arg4: memref<10240x256xbf16, #tpu.memory_space<hbm>>, %arg5: memref<2x10240x256xbf16, #tpu.memory_space<hbm>>, %arg6: memref<2x128xi32, #tpu.memory_space<vmem>>, %arg7: memref<128x256xbf16, #tpu.memory_space<vmem>>, %arg8: memref<10240x256xbf16, #tpu.memory_space<vmem_shared>>, %arg9: memref<!tpu.dma_semaphore, #tpu.memory_space<semaphore_mem>>) attributes {dimension_semantics = [#tpu.dimension_semantics<core_parallel>, #tpu.dimension_semantics<subcore_parallel>], iteration_bounds = array<i64: 2, 16>, scalar_prefetch = 0 : i64, scratch_operands = 4 : i64, tpu.core_type = #tpu.core_type<sc_vector_subcore>, window_params = [{transform_indices = #map}, {transform_indices = #map1}, {transform_indices = #map1}, {transform_indices = #map2}]} {
    %mul3A = arith.constant 2 : i32
    %mul3A_0 = arith.muli %arg1, %mul3A : i32
    %add3A = arith.addi %mul3A_0, %arg0 : i32
    %mul3A_1 = arith.constant 640 : i32
    %mul3A_2 = arith.muli %arg1, %mul3A_1 : i32
    %mul3A_3 = arith.constant 640 : i32
    %mul3A_4 = arith.muli %arg1, %mul3A_3 : i32
    "tpu.region"() ({
      %run_scoped3A = tpu.sem_alloc : memref<!tpu.dma_semaphore, #tpu.memory_space<semaphore_mem>>
      %dma_start3A = arith.constant 0 : i32
      %dma_start3A_17 = tpu.memref_slice %arg8[%mul3A_4, %dma_start3A] : memref<10240x256xbf16, #tpu.memory_space<vmem_shared>> -> memref<640x256xbf16, #tpu.memory_space<vmem_shared>>
      %dma_start3A_18 = arith.constant 0 : i32
      %dma_start3A_19 = tpu.memref_slice %arg4[%mul3A_2, %dma_start3A_18] : memref<10240x256xbf16, #tpu.memory_space<hbm>> -> memref<640x256xbf16, #tpu.memory_space<hbm>>
      tpu.enqueue_dma source(%dma_start3A_19 : memref<640x256xbf16, #tpu.memory_space<hbm>>) target(%dma_start3A_17 : memref<640x256xbf16, #tpu.memory_space<vmem_shared>>) target_semaphore(%run_scoped3A : memref<!tpu.dma_semaphore, #tpu.memory_space<semaphore_mem>>)
      %dma_wait3A = arith.constant 0 : i32
      %dma_wait3A_20 = tpu.memref_slice %arg8[%mul3A_4, %dma_wait3A] : memref<10240x256xbf16, #tpu.memory_space<vmem_shared>> -> memref<640x256xbf16, #tpu.memory_space<vmem_shared>>
      %dma_wait3A_21 = arith.constant 0 : i32
      %dma_wait3A_22 = tpu.memref_slice %arg4[%mul3A_2, %dma_wait3A_21] : memref<10240x256xbf16, #tpu.memory_space<hbm>> -> memref<640x256xbf16, #tpu.memory_space<hbm>>
      tpu.wait_dma2 semaphore(%run_scoped3A : memref<!tpu.dma_semaphore, #tpu.memory_space<semaphore_mem>>) src(%dma_wait3A_22 : memref<640x256xbf16, #tpu.memory_space<hbm>>) dst(%dma_wait3A_20 : memref<640x256xbf16, #tpu.memory_space<vmem_shared>>)
      tpu.yield
    }) : () -> ()
    %barrier3A = arith.constant 0 : index
    tpu.barrier barrier_id(%barrier3A)
    %scan3A = arith.constant 0 : i32
    %scan3A_5 = arith.constant 0 : i32
    %scan3A_6 = arith.constant 46 : i32
    %scan3A_7 = arith.addi %scan3A_5, %scan3A_6 : i32
    %scan3A_8 = arith.constant 1 : i32
    scf.for %scan3A_17 = %scan3A_5 to %scan3A_7 step %scan3A_8  : i32 {
      "tpu.region"() ({
        %run_scoped3A_30 = tpu.sem_alloc : memref<!tpu.dma_semaphore, #tpu.memory_space<semaphore_mem>>
        %dma_start3A_31 = arith.constant 0 : i32
        %dma_start3A_32 = arith.constant 0 : i32
        %dma_start3A_33 = tpu.memref_slice %arg2[%add3A, %scan3A_17, %dma_start3A_31, %dma_start3A_32] : memref<32x114x2x128xi32, #tpu.memory_space<hbm>> -> memref<1x1x2x128xi32, #tpu.memory_space<hbm>>
        %dma_start3A_34 = tpu.memref_squeeze %dma_start3A_33 : memref<1x1x2x128xi32, #tpu.memory_space<hbm>> -> memref<2x128xi32, #tpu.memory_space<hbm>>
        %dma_start3A_35 = arith.constant 0 : i32
        %dma_start3A_36 = arith.constant 0 : i32
        %dma_start3A_37 = tpu.memref_slice %arg2[%add3A, %scan3A_17, %dma_start3A_35, %dma_start3A_36] : memref<32x114x2x128xi32, #tpu.memory_space<hbm>> -> memref<1x1x2x128xi32, #tpu.memory_space<hbm>>
        %dma_start3A_38 = tpu.memref_squeeze %dma_start3A_37 : memref<1x1x2x128xi32, #tpu.memory_space<hbm>> -> memref<2x128xi32, #tpu.memory_space<hbm>>
        tpu.enqueue_dma source(%dma_start3A_38 : memref<2x128xi32, #tpu.memory_space<hbm>>) target(%arg6 : memref<2x128xi32, #tpu.memory_space<vmem>>) target_semaphore(%run_scoped3A_30 : memref<!tpu.dma_semaphore, #tpu.memory_space<semaphore_mem>>)
        %dma_wait3A_39 = arith.constant 0 : i32
        %dma_wait3A_40 = arith.constant 0 : i32
        %dma_wait3A_41 = tpu.memref_slice %arg2[%add3A, %scan3A_17, %dma_wait3A_39, %dma_wait3A_40] : memref<32x114x2x128xi32, #tpu.memory_space<hbm>> -> memref<1x1x2x128xi32, #tpu.memory_space<hbm>>
        %dma_wait3A_42 = tpu.memref_squeeze %dma_wait3A_41 : memref<1x1x2x128xi32, #tpu.memory_space<hbm>> -> memref<2x128xi32, #tpu.memory_space<hbm>>
        %dma_wait3A_43 = arith.constant 0 : i32
        %dma_wait3A_44 = arith.constant 0 : i32
        %dma_wait3A_45 = tpu.memref_slice %arg2[%add3A, %scan3A_17, %dma_wait3A_43, %dma_wait3A_44] : memref<32x114x2x128xi32, #tpu.memory_space<hbm>> -> memref<1x1x2x128xi32, #tpu.memory_space<hbm>>
        %dma_wait3A_46 = tpu.memref_squeeze %dma_wait3A_45 : memref<1x1x2x128xi32, #tpu.memory_space<hbm>> -> memref<2x128xi32, #tpu.memory_space<hbm>>
        tpu.wait_dma2 semaphore(%run_scoped3A_30 : memref<!tpu.dma_semaphore, #tpu.memory_space<semaphore_mem>>) src(%dma_wait3A_46 : memref<2x128xi32, #tpu.memory_space<hbm>>) dst(%arg6 : memref<2x128xi32, #tpu.memory_space<vmem>>)
        tpu.yield
      }) : () -> ()
      %dma_start3A = arith.constant 0 : i32
      %dma_start3A_18 = arith.constant 0 : i32
      %dma_start3A_19 = tpu.memref_slice %arg6[%dma_start3A, %dma_start3A_18] : memref<2x128xi32, #tpu.memory_space<vmem>> -> memref<1x128xi32, #tpu.memory_space<vmem>>
      %dma_start3A_20 = tpu.memref_squeeze %dma_start3A_19 : memref<1x128xi32, #tpu.memory_space<vmem>> -> memref<128xi32, #tpu.memory_space<vmem>>
      %dma_start3A_21 = arith.constant 0 : i32
      %dma_start3A_22 = arith.constant 0 : i32
      %dma_start3A_23 = tpu.memref_slice %arg3[%dma_start3A_21, %dma_start3A_22] : memref<10240x256xbf16, #tpu.memory_space<hbm>> -> memref<10240x256xbf16, #tpu.memory_space<hbm>>
      tpu.enqueue_indirect_dma source(%dma_start3A_23 : memref<10240x256xbf16, #tpu.memory_space<hbm>>) target(%arg7 : memref<128x256xbf16, #tpu.memory_space<vmem>>) offsets(%dma_start3A_20 : memref<128xi32, #tpu.memory_space<vmem>>) semaphore(%arg9 : memref<!tpu.dma_semaphore, #tpu.memory_space<semaphore_mem>>)
      %dma_wait3A = arith.constant 0 : i32
      %dma_wait3A_24 = arith.constant 0 : i32
      %dma_wait3A_25 = tpu.memref_slice %arg6[%dma_wait3A, %dma_wait3A_24] : memref<2x128xi32, #tpu.memory_space<vmem>> -> memref<1x128xi32, #tpu.memory_space<vmem>>
      %dma_wait3A_26 = tpu.memref_squeeze %dma_wait3A_25 : memref<1x128xi32, #tpu.memory_space<vmem>> -> memref<128xi32, #tpu.memory_space<vmem>>
      %dma_wait3A_27 = arith.constant 0 : i32
      %dma_wait3A_28 = arith.constant 0 : i32
      %dma_wait3A_29 = tpu.memref_slice %arg3[%dma_wait3A_27, %dma_wait3A_28] : memref<10240x256xbf16, #tpu.memory_space<hbm>> -> memref<10240x256xbf16, #tpu.memory_space<hbm>>
      tpu.wait_indirect_dma semaphore(%arg9 : memref<!tpu.dma_semaphore, #tpu.memory_space<semaphore_mem>>) src(%dma_wait3A_29 : memref<10240x256xbf16, #tpu.memory_space<hbm>>) dst(%arg7 : memref<128x256xbf16, #tpu.memory_space<vmem>>)
      %run_scoped3A = arith.constant 1 : i32
      "tpu.region"() ({
        %run_scoped3A_30 = tpu.sem_alloc : memref<!tpu.dma_semaphore, #tpu.memory_space<semaphore_mem>>
        %dma_start3A_31 = arith.constant 0 : i32
        %dma_start3A_32 = tpu.memref_slice %arg6[%run_scoped3A, %dma_start3A_31] : memref<2x128xi32, #tpu.memory_space<vmem>> -> memref<1x128xi32, #tpu.memory_space<vmem>>
        %dma_start3A_33 = tpu.memref_squeeze %dma_start3A_32 : memref<1x128xi32, #tpu.memory_space<vmem>> -> memref<128xi32, #tpu.memory_space<vmem>>
        %dma_start3A_34 = arith.constant 0 : i32
        %dma_start3A_35 = arith.constant 0 : i32
        %dma_start3A_36 = tpu.memref_slice %arg8[%dma_start3A_34, %dma_start3A_35] : memref<10240x256xbf16, #tpu.memory_space<vmem_shared>> -> memref<10240x256xbf16, #tpu.memory_space<vmem_shared>>
        tpu.enqueue_indirect_dma source(%arg7 : memref<128x256xbf16, #tpu.memory_space<vmem>>) target(%dma_start3A_36 : memref<10240x256xbf16, #tpu.memory_space<vmem_shared>>) offsets(%dma_start3A_33 : memref<128xi32, #tpu.memory_space<vmem>>) semaphore(%run_scoped3A_30 : memref<!tpu.dma_semaphore, #tpu.memory_space<semaphore_mem>>) {add = true}
        %dma_wait3A_37 = arith.constant 0 : i32
        %dma_wait3A_38 = tpu.memref_slice %arg6[%run_scoped3A, %dma_wait3A_37] : memref<2x128xi32, #tpu.memory_space<vmem>> -> memref<1x128xi32, #tpu.memory_space<vmem>>
        %dma_wait3A_39 = tpu.memref_squeeze %dma_wait3A_38 : memref<1x128xi32, #tpu.memory_space<vmem>> -> memref<128xi32, #tpu.memory_space<vmem>>
        %dma_wait3A_40 = arith.constant 0 : i32
        %dma_wait3A_41 = arith.constant 0 : i32
        %dma_wait3A_42 = tpu.memref_slice %arg8[%dma_wait3A_40, %dma_wait3A_41] : memref<10240x256xbf16, #tpu.memory_space<vmem_shared>> -> memref<10240x256xbf16, #tpu.memory_space<vmem_shared>>
        tpu.wait_indirect_dma semaphore(%run_scoped3A_30 : memref<!tpu.dma_semaphore, #tpu.memory_space<semaphore_mem>>) src(%arg7 : memref<128x256xbf16, #tpu.memory_space<vmem>>) dst(%dma_wait3A_42 : memref<10240x256xbf16, #tpu.memory_space<vmem_shared>>)
        tpu.yield
      }) : () -> ()
    }
    %scan3A_9 = arith.constant 46 : i32
    %eq3A = arith.constant 1 : i32
    %eq3A_10 = arith.cmpi eq, %arg0, %eq3A : i32
    %convert_element_type3A = arith.extui %eq3A_10 : i1 to i32
    %cond3A = arith.constant 0 : i32
    %cond3A_11 = arith.cmpi ne, %convert_element_type3A, %cond3A : i32
    scf.if %cond3A_11 {
      %scan3A_17 = arith.constant 0 : i32
      %scan3A_18 = arith.constant 46 : i32
      %scan3A_19 = arith.constant 68 : i32
      %scan3A_20 = arith.addi %scan3A_18, %scan3A_19 : i32
      %scan3A_21 = arith.constant 1 : i32
      scf.for %scan3A_23 = %scan3A_18 to %scan3A_20 step %scan3A_21  : i32 {
        "tpu.region"() ({
          %run_scoped3A_36 = tpu.sem_alloc : memref<!tpu.dma_semaphore, #tpu.memory_space<semaphore_mem>>
          %dma_start3A_37 = arith.constant 0 : i32
          %dma_start3A_38 = arith.constant 0 : i32
          %dma_start3A_39 = tpu.memref_slice %arg2[%add3A, %scan3A_23, %dma_start3A_37, %dma_start3A_38] : memref<32x114x2x128xi32, #tpu.memory_space<hbm>> -> memref<1x1x2x128xi32, #tpu.memory_space<hbm>>
          %dma_start3A_40 = tpu.memref_squeeze %dma_start3A_39 : memref<1x1x2x128xi32, #tpu.memory_space<hbm>> -> memref<2x128xi32, #tpu.memory_space<hbm>>
          %dma_start3A_41 = arith.constant 0 : i32
          %dma_start3A_42 = arith.constant 0 : i32
          %dma_start3A_43 = tpu.memref_slice %arg2[%add3A, %scan3A_23, %dma_start3A_41, %dma_start3A_42] : memref<32x114x2x128xi32, #tpu.memory_space<hbm>> -> memref<1x1x2x128xi32, #tpu.memory_space<hbm>>
          %dma_start3A_44 = tpu.memref_squeeze %dma_start3A_43 : memref<1x1x2x128xi32, #tpu.memory_space<hbm>> -> memref<2x128xi32, #tpu.memory_space<hbm>>
          tpu.enqueue_dma source(%dma_start3A_44 : memref<2x128xi32, #tpu.memory_space<hbm>>) target(%arg6 : memref<2x128xi32, #tpu.memory_space<vmem>>) target_semaphore(%run_scoped3A_36 : memref<!tpu.dma_semaphore, #tpu.memory_space<semaphore_mem>>)
          %dma_wait3A_45 = arith.constant 0 : i32
          %dma_wait3A_46 = arith.constant 0 : i32
          %dma_wait3A_47 = tpu.memref_slice %arg2[%add3A, %scan3A_23, %dma_wait3A_45, %dma_wait3A_46] : memref<32x114x2x128xi32, #tpu.memory_space<hbm>> -> memref<1x1x2x128xi32, #tpu.memory_space<hbm>>
          %dma_wait3A_48 = tpu.memref_squeeze %dma_wait3A_47 : memref<1x1x2x128xi32, #tpu.memory_space<hbm>> -> memref<2x128xi32, #tpu.memory_space<hbm>>
          %dma_wait3A_49 = arith.constant 0 : i32
          %dma_wait3A_50 = arith.constant 0 : i32
          %dma_wait3A_51 = tpu.memref_slice %arg2[%add3A, %scan3A_23, %dma_wait3A_49, %dma_wait3A_50] : memref<32x114x2x128xi32, #tpu.memory_space<hbm>> -> memref<1x1x2x128xi32, #tpu.memory_space<hbm>>
          %dma_wait3A_52 = tpu.memref_squeeze %dma_wait3A_51 : memref<1x1x2x128xi32, #tpu.memory_space<hbm>> -> memref<2x128xi32, #tpu.memory_space<hbm>>
          tpu.wait_dma2 semaphore(%run_scoped3A_36 : memref<!tpu.dma_semaphore, #tpu.memory_space<semaphore_mem>>) src(%dma_wait3A_52 : memref<2x128xi32, #tpu.memory_space<hbm>>) dst(%arg6 : memref<2x128xi32, #tpu.memory_space<vmem>>)
          tpu.yield
        }) : () -> ()
        %dma_start3A = arith.constant 0 : i32
        %dma_start3A_24 = arith.constant 0 : i32
        %dma_start3A_25 = tpu.memref_slice %arg6[%dma_start3A, %dma_start3A_24] : memref<2x128xi32, #tpu.memory_space<vmem>> -> memref<1x128xi32, #tpu.memory_space<vmem>>
        %dma_start3A_26 = tpu.memref_squeeze %dma_start3A_25 : memref<1x128xi32, #tpu.memory_space<vmem>> -> memref<128xi32, #tpu.memory_space<vmem>>
        %dma_start3A_27 = arith.constant 0 : i32
        %dma_start3A_28 = arith.constant 0 : i32
        %dma_start3A_29 = tpu.memref_slice %arg3[%dma_start3A_27, %dma_start3A_28] : memref<10240x256xbf16, #tpu.memory_space<hbm>> -> memref<10240x256xbf16, #tpu.memory_space<hbm>>
        tpu.enqueue_indirect_dma source(%dma_start3A_29 : memref<10240x256xbf16, #tpu.memory_space<hbm>>) target(%arg7 : memref<128x256xbf16, #tpu.memory_space<vmem>>) offsets(%dma_start3A_26 : memref<128xi32, #tpu.memory_space<vmem>>) semaphore(%arg9 : memref<!tpu.dma_semaphore, #tpu.memory_space<semaphore_mem>>)
        %dma_wait3A = arith.constant 0 : i32
        %dma_wait3A_30 = arith.constant 0 : i32
        %dma_wait3A_31 = tpu.memref_slice %arg6[%dma_wait3A, %dma_wait3A_30] : memref<2x128xi32, #tpu.memory_space<vmem>> -> memref<1x128xi32, #tpu.memory_space<vmem>>
        %dma_wait3A_32 = tpu.memref_squeeze %dma_wait3A_31 : memref<1x128xi32, #tpu.memory_space<vmem>> -> memref<128xi32, #tpu.memory_space<vmem>>
        %dma_wait3A_33 = arith.constant 0 : i32
        %dma_wait3A_34 = arith.constant 0 : i32
        %dma_wait3A_35 = tpu.memref_slice %arg3[%dma_wait3A_33, %dma_wait3A_34] : memref<10240x256xbf16, #tpu.memory_space<hbm>> -> memref<10240x256xbf16, #tpu.memory_space<hbm>>
        tpu.wait_indirect_dma semaphore(%arg9 : memref<!tpu.dma_semaphore, #tpu.memory_space<semaphore_mem>>) src(%dma_wait3A_35 : memref<10240x256xbf16, #tpu.memory_space<hbm>>) dst(%arg7 : memref<128x256xbf16, #tpu.memory_space<vmem>>)
        %run_scoped3A = arith.constant 1 : i32
        "tpu.region"() ({
          %run_scoped3A_36 = tpu.sem_alloc : memref<!tpu.dma_semaphore, #tpu.memory_space<semaphore_mem>>
          %dma_start3A_37 = arith.constant 0 : i32
          %dma_start3A_38 = tpu.memref_slice %arg6[%run_scoped3A, %dma_start3A_37] : memref<2x128xi32, #tpu.memory_space<vmem>> -> memref<1x128xi32, #tpu.memory_space<vmem>>
          %dma_start3A_39 = tpu.memref_squeeze %dma_start3A_38 : memref<1x128xi32, #tpu.memory_space<vmem>> -> memref<128xi32, #tpu.memory_space<vmem>>
          %dma_start3A_40 = arith.constant 0 : i32
          %dma_start3A_41 = arith.constant 0 : i32
          %dma_start3A_42 = tpu.memref_slice %arg8[%dma_start3A_40, %dma_start3A_41] : memref<10240x256xbf16, #tpu.memory_space<vmem_shared>> -> memref<10240x256xbf16, #tpu.memory_space<vmem_shared>>
          tpu.enqueue_indirect_dma source(%arg7 : memref<128x256xbf16, #tpu.memory_space<vmem>>) target(%dma_start3A_42 : memref<10240x256xbf16, #tpu.memory_space<vmem_shared>>) offsets(%dma_start3A_39 : memref<128xi32, #tpu.memory_space<vmem>>) semaphore(%run_scoped3A_36 : memref<!tpu.dma_semaphore, #tpu.memory_space<semaphore_mem>>) {add = true}
          %dma_wait3A_43 = arith.constant 0 : i32
          %dma_wait3A_44 = tpu.memref_slice %arg6[%run_scoped3A, %dma_wait3A_43] : memref<2x128xi32, #tpu.memory_space<vmem>> -> memref<1x128xi32, #tpu.memory_space<vmem>>
          %dma_wait3A_45 = tpu.memref_squeeze %dma_wait3A_44 : memref<1x128xi32, #tpu.memory_space<vmem>> -> memref<128xi32, #tpu.memory_space<vmem>>
          %dma_wait3A_46 = arith.constant 0 : i32
          %dma_wait3A_47 = arith.constant 0 : i32
          %dma_wait3A_48 = tpu.memref_slice %arg8[%dma_wait3A_46, %dma_wait3A_47] : memref<10240x256xbf16, #tpu.memory_space<vmem_shared>> -> memref<10240x256xbf16, #tpu.memory_space<vmem_shared>>
          tpu.wait_indirect_dma semaphore(%run_scoped3A_36 : memref<!tpu.dma_semaphore, #tpu.memory_space<semaphore_mem>>) src(%arg7 : memref<128x256xbf16, #tpu.memory_space<vmem>>) dst(%dma_wait3A_48 : memref<10240x256xbf16, #tpu.memory_space<vmem_shared>>)
          tpu.yield
        }) : () -> ()
      }
      %scan3A_22 = arith.constant 68 : i32
    } else {
    }
    %barrier3A_12 = arith.constant 0 : index
    tpu.barrier barrier_id(%barrier3A_12)
    %mul3A_13 = arith.constant 640 : i32
    %mul3A_14 = arith.muli %arg1, %mul3A_13 : i32
    %mul3A_15 = arith.constant 640 : i32
    %mul3A_16 = arith.muli %arg1, %mul3A_15 : i32
    "tpu.region"() ({
      %run_scoped3A = tpu.sem_alloc : memref<!tpu.dma_semaphore, #tpu.memory_space<semaphore_mem>>
      %dma_start3A = arith.constant 0 : i32
      %dma_start3A_17 = tpu.memref_slice %arg5[%arg0, %mul3A_16, %dma_start3A] : memref<2x10240x256xbf16, #tpu.memory_space<hbm>> -> memref<1x640x256xbf16, #tpu.memory_space<hbm>>
      %dma_start3A_18 = tpu.memref_squeeze %dma_start3A_17 : memref<1x640x256xbf16, #tpu.memory_space<hbm>> -> memref<640x256xbf16, #tpu.memory_space<hbm>>
      %dma_start3A_19 = arith.constant 0 : i32
      %dma_start3A_20 = tpu.memref_slice %arg8[%mul3A_14, %dma_start3A_19] : memref<10240x256xbf16, #tpu.memory_space<vmem_shared>> -> memref<640x256xbf16, #tpu.memory_space<vmem_shared>>
      tpu.enqueue_dma source(%dma_start3A_20 : memref<640x256xbf16, #tpu.memory_space<vmem_shared>>) target(%dma_start3A_18 : memref<640x256xbf16, #tpu.memory_space<hbm>>) target_semaphore(%run_scoped3A : memref<!tpu.dma_semaphore, #tpu.memory_space<semaphore_mem>>)
      %dma_wait3A = arith.constant 0 : i32
      %dma_wait3A_21 = tpu.memref_slice %arg5[%arg0, %mul3A_16, %dma_wait3A] : memref<2x10240x256xbf16, #tpu.memory_space<hbm>> -> memref<1x640x256xbf16, #tpu.memory_space<hbm>>
      %dma_wait3A_22 = tpu.memref_squeeze %dma_wait3A_21 : memref<1x640x256xbf16, #tpu.memory_space<hbm>> -> memref<640x256xbf16, #tpu.memory_space<hbm>>
      %dma_wait3A_23 = arith.constant 0 : i32
      %dma_wait3A_24 = tpu.memref_slice %arg8[%mul3A_14, %dma_wait3A_23] : memref<10240x256xbf16, #tpu.memory_space<vmem_shared>> -> memref<640x256xbf16, #tpu.memory_space<vmem_shared>>
      tpu.wait_dma2 semaphore(%run_scoped3A : memref<!tpu.dma_semaphore, #tpu.memory_space<semaphore_mem>>) src(%dma_wait3A_24 : memref<640x256xbf16, #tpu.memory_space<vmem_shared>>) dst(%dma_wait3A_22 : memref<640x256xbf16, #tpu.memory_space<hbm>>)
      tpu.yield
    }) : () -> ()
    return
  }
}

module attributes {stable_mosaic.version = 14 : i64} {
  func.func @_prep_body(%arg0: i32, %arg1: memref<2x2560x128xf32, #tpu.memory_space<vmem>>, %arg2: memref<2560x128xf32, #tpu.memory_space<vmem>>, %arg3: memref<128x256xf32, #tpu.memory_space<vmem>>, %arg4: memref<2560x128xf32, #tpu.memory_space<vmem>>, %arg5: memref<2560x256xbf16, #tpu.memory_space<vmem>>) attributes {dimension_semantics = [#tpu.dimension_semantics<arbitrary>], iteration_bounds = array<i64: 4>, scalar_prefetch = 0 : i64, scratch_operands = 0 : i64, tpu.core_type = #tpu.core_type<tc>, window_params = [{transform_indices = @transform_0, window_bounds = array<i64: 2, 2560, 128>}, {transform_indices = @transform_1, window_bounds = array<i64: 2560, 128>}, {pipeline_mode = #tpu.pipeline_mode<synchronous>, transform_indices = @transform_2, window_bounds = array<i64: 128, 256>}, {transform_indices = @transform_3, window_bounds = array<i64: 2560, 128>}, {transform_indices = @transform_4, window_bounds = array<i64: 2560, 256>}]} {
    %get3A = arith.constant 0 : index
    %get3A_0 = arith.constant 0 : index
    %get3A_1 = arith.constant 0 : index
    %get3A_2 = vector.load %arg1[%get3A, %get3A_0, %get3A_1] : memref<2x2560x128xf32, #tpu.memory_space<vmem>>, vector<1x2560x128xf32>
    %get3A_3 = vector.shape_cast %get3A_2 : vector<1x2560x128xf32> to vector<2560x128xf32>
    %get3A_4 = arith.constant 1 : index
    %get3A_5 = arith.constant 0 : index
    %get3A_6 = arith.constant 0 : index
    %get3A_7 = vector.load %arg1[%get3A_4, %get3A_5, %get3A_6] : memref<2x2560x128xf32, #tpu.memory_space<vmem>>, vector<1x2560x128xf32>
    %get3A_8 = vector.shape_cast %get3A_7 : vector<1x2560x128xf32> to vector<2560x128xf32>
    %add3A = arith.addf %get3A_3, %get3A_8 : vector<2560x128xf32>
    %slice3A = vector.extract_strided_slice %add3A {offsets = [0, 0], sizes = [2560, 1], strides = [1, 1]} : vector<2560x128xf32> to vector<2560x1xf32>
    %add3A_9 = arith.constant 1.000000e+00 : f32
    %add3A_10 = vector.broadcast %add3A_9 : f32 to vector<2560x1xf32>
    %add3A_11 = arith.addf %slice3A, %add3A_10 : vector<2560x1xf32>
    %rsqrt3A = math.rsqrt %add3A_11 : vector<2560x1xf32>
    %broadcast_in_dim3A = vector.shape_cast %rsqrt3A : vector<2560x1xf32> to vector<2560x1xf32>
    %broadcast_in_dim3A_12 = vector.broadcast %broadcast_in_dim3A : vector<2560x1xf32> to vector<2560x128xf32>
    %swap3A = arith.constant 0 : index
    %swap3A_13 = arith.constant 0 : index
    %swap3A_14 = vector.load %arg4[%swap3A, %swap3A_13] : memref<2560x128xf32, #tpu.memory_space<vmem>>, vector<2560x128xf32>
    tpu.vector_store %arg4[%swap3A, %swap3A_13], %broadcast_in_dim3A_12 {strides = array<i32>} : memref<2560x128xf32, #tpu.memory_space<vmem>>, vector<2560x128xf32>,
    %get3A_15 = arith.constant 0 : index
    %get3A_16 = arith.constant 0 : index
    %get3A_17 = vector.load %arg2[%get3A_15, %get3A_16] : memref<2560x128xf32, #tpu.memory_space<vmem>>, vector<2560x128xf32>
    %get3A_18 = arith.constant 0 : index
    %get3A_19 = arith.constant 0 : index
    %get3A_20 = vector.load %arg3[%get3A_18, %get3A_19] : memref<128x256xf32, #tpu.memory_space<vmem>>, vector<128x256xf32>
    %dot_general3A = arith.constant dense<0.000000e+00> : vector<2560x256xf32>
    %dot_general3A_21 = tpu.matmul %get3A_17, %get3A_20, %dot_general3A {dimension_numbers = #tpu.dot_dimension_numbers<[1], [0], [0], [1], [0, 0, 1, 1], [], []>, transpose_lhs_hint = false} : vector<2560x128xf32>, vector<128x256xf32>, vector<2560x256xf32> -> vector<2560x256xf32>
    %mul3A = vector.broadcast %rsqrt3A : vector<2560x1xf32> to vector<2560x256xf32>
    %mul3A_22 = arith.mulf %dot_general3A_21, %mul3A : vector<2560x256xf32>
    %convert_element_type3A = arith.truncf %mul3A_22 : vector<2560x256xf32> to vector<2560x256xbf16>
    %swap3A_23 = arith.constant 0 : index
    %swap3A_24 = arith.constant 0 : index
    %swap3A_25 = vector.load %arg5[%swap3A_23, %swap3A_24] : memref<2560x256xbf16, #tpu.memory_space<vmem>>, vector<2560x256xbf16>
    tpu.vector_store %arg5[%swap3A_23, %swap3A_24], %convert_element_type3A {strides = array<i32>} : memref<2560x256xbf16, #tpu.memory_space<vmem>>, vector<2560x256xbf16>,
    return
  }
  func.func @transform_0(%arg0: i32) -> (i32, i32, i32) {
    %c0_i32 = arith.constant 0 : i32
    %c0_i32_0 = arith.constant 0 : i32
    %c0_i32_1 = arith.constant 0 : i32
    return %c0_i32, %arg0, %c0_i32_0 : i32, i32, i32
  }
  func.func @transform_1(%arg0: i32) -> (i32, i32) {
    %c0_i32 = arith.constant 0 : i32
    %c0_i32_0 = arith.constant 0 : i32
    return %arg0, %c0_i32 : i32, i32
  }
  func.func @transform_2(%arg0: i32) -> (i32, i32) {
    %c0_i32 = arith.constant 0 : i32
    %c0_i32_0 = arith.constant 0 : i32
    %c0_i32_1 = arith.constant 0 : i32
    return %c0_i32, %c0_i32_0 : i32, i32
  }
  func.func @transform_3(%arg0: i32) -> (i32, i32) {
    %c0_i32 = arith.constant 0 : i32
    %c0_i32_0 = arith.constant 0 : i32
    return %arg0, %c0_i32 : i32, i32
  }
  func.func @transform_4(%arg0: i32) -> (i32, i32) {
    %c0_i32 = arith.constant 0 : i32
    %c0_i32_0 = arith.constant 0 : i32
    return %arg0, %c0_i32 : i32, i32
  }
}

module attributes {stable_mosaic.version = 14 : i64} {
  func.func @_combine2_body(%arg0: i32, %arg1: memref<2x2560x256xbf16, #tpu.memory_space<vmem>>, %arg2: memref<2560x256xbf16, #tpu.memory_space<vmem>>, %arg3: memref<2560x128xf32, #tpu.memory_space<vmem>>, %arg4: memref<1x256xf32, #tpu.memory_space<vmem>>, %arg5: memref<256x256xf32, #tpu.memory_space<vmem>>, %arg6: memref<2560x256xbf16, #tpu.memory_space<vmem>>) attributes {dimension_semantics = [#tpu.dimension_semantics<arbitrary>], iteration_bounds = array<i64: 4>, scalar_prefetch = 0 : i64, scratch_operands = 0 : i64, tpu.core_type = #tpu.core_type<tc>, window_params = [{transform_indices = @transform_0, window_bounds = array<i64: 2, 2560, 256>}, {transform_indices = @transform_1, window_bounds = array<i64: 2560, 256>}, {transform_indices = @transform_2, window_bounds = array<i64: 2560, 128>}, {pipeline_mode = #tpu.pipeline_mode<synchronous>, transform_indices = @transform_3, window_bounds = array<i64: 1, 256>}, {pipeline_mode = #tpu.pipeline_mode<synchronous>, transform_indices = @transform_4, window_bounds = array<i64: 256, 256>}, {transform_indices = @transform_5, window_bounds = array<i64: 2560, 256>}]} {
    %get3A = arith.constant 0 : index
    %get3A_0 = arith.constant 0 : index
    %get3A_1 = vector.load %arg3[%get3A, %get3A_0] : memref<2560x128xf32, #tpu.memory_space<vmem>>, vector<2560x128xf32>
    %get3A_2 = arith.constant 0 : index
    %get3A_3 = arith.constant 0 : index
    %get3A_4 = arith.constant 0 : index
    %get3A_5 = vector.load %arg1[%get3A_2, %get3A_3, %get3A_4] : memref<2x2560x256xbf16, #tpu.memory_space<vmem>>, vector<1x2560x256xbf16>
    %get3A_6 = vector.shape_cast %get3A_5 : vector<1x2560x256xbf16> to vector<2560x256xbf16>
    %convert_element_type3A = arith.extf %get3A_6 : vector<2560x256xbf16> to vector<2560x256xf32>
    %get3A_7 = arith.constant 1 : index
    %get3A_8 = arith.constant 0 : index
    %get3A_9 = arith.constant 0 : index
    %get3A_10 = vector.load %arg1[%get3A_7, %get3A_8, %get3A_9] : memref<2x2560x256xbf16, #tpu.memory_space<vmem>>, vector<1x2560x256xbf16>
    %get3A_11 = vector.shape_cast %get3A_10 : vector<1x2560x256xbf16> to vector<2560x256xbf16>
    %convert_element_type3A_12 = arith.extf %get3A_11 : vector<2560x256xbf16> to vector<2560x256xf32>
    %add3A = arith.addf %convert_element_type3A, %convert_element_type3A_12 : vector<2560x256xf32>
    %get3A_13 = arith.constant 0 : index
    %get3A_14 = arith.constant 0 : index
    %get3A_15 = vector.load %arg2[%get3A_13, %get3A_14] : memref<2560x256xbf16, #tpu.memory_space<vmem>>, vector<2560x256xbf16>
    %convert_element_type3A_16 = arith.extf %get3A_15 : vector<2560x256xbf16> to vector<2560x256xf32>
    %add3A_17 = arith.addf %add3A, %convert_element_type3A_16 : vector<2560x256xf32>
    %slice3A = vector.extract_strided_slice %get3A_1 {offsets = [0, 0], sizes = [2560, 1], strides = [1, 1]} : vector<2560x128xf32> to vector<2560x1xf32>
    %mul3A = vector.broadcast %slice3A : vector<2560x1xf32> to vector<2560x256xf32>
    %mul3A_18 = arith.mulf %add3A_17, %mul3A : vector<2560x256xf32>
    %get3A_19 = arith.constant 0 : index
    %get3A_20 = arith.constant 0 : index
    %get3A_21 = vector.load %arg4[%get3A_19, %get3A_20] : memref<1x256xf32, #tpu.memory_space<vmem>>, vector<1x256xf32>
    %add3A_22 = vector.broadcast %get3A_21 : vector<1x256xf32> to vector<2560x256xf32>
    %add3A_23 = arith.addf %mul3A_18, %add3A_22 : vector<2560x256xf32>
    %max3A = arith.constant 0.000000e+00 : f32
    %max3A_24 = vector.broadcast %max3A : f32 to vector<2560x256xf32>
    %max3A_25 = arith.maximumf %add3A_23, %max3A_24 : vector<2560x256xf32>
    %get3A_26 = arith.constant 0 : index
    %get3A_27 = arith.constant 0 : index
    %get3A_28 = vector.load %arg5[%get3A_26, %get3A_27] : memref<256x256xf32, #tpu.memory_space<vmem>>, vector<256x256xf32>
    %dot_general3A = arith.constant dense<0.000000e+00> : vector<2560x256xf32>
    %dot_general3A_29 = tpu.matmul %max3A_25, %get3A_28, %dot_general3A {dimension_numbers = #tpu.dot_dimension_numbers<[1], [0], [0], [1], [0, 0, 1, 1], [], []>, transpose_lhs_hint = false} : vector<2560x256xf32>, vector<256x256xf32>, vector<2560x256xf32> -> vector<2560x256xf32>
    %slice3A_30 = vector.extract_strided_slice %get3A_1 {offsets = [0, 0], sizes = [2560, 1], strides = [1, 1]} : vector<2560x128xf32> to vector<2560x1xf32>
    %mul3A_31 = vector.broadcast %slice3A_30 : vector<2560x1xf32> to vector<2560x256xf32>
    %mul3A_32 = arith.mulf %dot_general3A_29, %mul3A_31 : vector<2560x256xf32>
    %convert_element_type3A_33 = arith.truncf %mul3A_32 : vector<2560x256xf32> to vector<2560x256xbf16>
    %swap3A = arith.constant 0 : index
    %swap3A_34 = arith.constant 0 : index
    %swap3A_35 = vector.load %arg6[%swap3A, %swap3A_34] : memref<2560x256xbf16, #tpu.memory_space<vmem>>, vector<2560x256xbf16>
    tpu.vector_store %arg6[%swap3A, %swap3A_34], %convert_element_type3A_33 {strides = array<i32>} : memref<2560x256xbf16, #tpu.memory_space<vmem>>, vector<2560x256xbf16>,
    return
  }
  func.func @transform_0(%arg0: i32) -> (i32, i32, i32) {
    %c0_i32 = arith.constant 0 : i32
    %c0_i32_0 = arith.constant 0 : i32
    %c0_i32_1 = arith.constant 0 : i32
    return %c0_i32, %arg0, %c0_i32_0 : i32, i32, i32
  }
  func.func @transform_1(%arg0: i32) -> (i32, i32) {
    %c0_i32 = arith.constant 0 : i32
    %c0_i32_0 = arith.constant 0 : i32
    return %arg0, %c0_i32 : i32, i32
  }
  func.func @transform_2(%arg0: i32) -> (i32, i32) {
    %c0_i32 = arith.constant 0 : i32
    %c0_i32_0 = arith.constant 0 : i32
    return %arg0, %c0_i32 : i32, i32
  }
  func.func @transform_3(%arg0: i32) -> (i32, i32) {
    %c0_i32 = arith.constant 0 : i32
    %c0_i32_0 = arith.constant 0 : i32
    %c0_i32_1 = arith.constant 0 : i32
    return %c0_i32, %c0_i32_0 : i32, i32
  }
  func.func @transform_4(%arg0: i32) -> (i32, i32) {
    %c0_i32 = arith.constant 0 : i32
    %c0_i32_0 = arith.constant 0 : i32
    %c0_i32_1 = arith.constant 0 : i32
    return %c0_i32, %c0_i32_0 : i32, i32
  }
  func.func @transform_5(%arg0: i32) -> (i32, i32) {
    %c0_i32 = arith.constant 0 : i32
    %c0_i32_0 = arith.constant 0 : i32
    return %arg0, %c0_i32 : i32, i32
  }
}

module attributes {stable_mosaic.version = 14 : i64} {
  func.func @_combine3_body(%arg0: i32, %arg1: memref<2x2560x256xbf16, #tpu.memory_space<vmem>>, %arg2: memref<2560x256xbf16, #tpu.memory_space<vmem>>, %arg3: memref<2560x128xf32, #tpu.memory_space<vmem>>, %arg4: memref<1x256xf32, #tpu.memory_space<vmem>>, %arg5: memref<256x128xf32, #tpu.memory_space<vmem>>, %arg6: memref<2560x128xf32, #tpu.memory_space<vmem>>) attributes {dimension_semantics = [#tpu.dimension_semantics<arbitrary>], iteration_bounds = array<i64: 4>, scalar_prefetch = 0 : i64, scratch_operands = 0 : i64, tpu.core_type = #tpu.core_type<tc>, window_params = [{transform_indices = @transform_0, window_bounds = array<i64: 2, 2560, 256>}, {transform_indices = @transform_1, window_bounds = array<i64: 2560, 256>}, {transform_indices = @transform_2, window_bounds = array<i64: 2560, 128>}, {pipeline_mode = #tpu.pipeline_mode<synchronous>, transform_indices = @transform_3, window_bounds = array<i64: 1, 256>}, {pipeline_mode = #tpu.pipeline_mode<synchronous>, transform_indices = @transform_4, window_bounds = array<i64: 256, 128>}, {transform_indices = @transform_5, window_bounds = array<i64: 2560, 128>}]} {
    %get3A = arith.constant 0 : index
    %get3A_0 = arith.constant 0 : index
    %get3A_1 = vector.load %arg3[%get3A, %get3A_0] : memref<2560x128xf32, #tpu.memory_space<vmem>>, vector<2560x128xf32>
    %get3A_2 = arith.constant 0 : index
    %get3A_3 = arith.constant 0 : index
    %get3A_4 = arith.constant 0 : index
    %get3A_5 = vector.load %arg1[%get3A_2, %get3A_3, %get3A_4] : memref<2x2560x256xbf16, #tpu.memory_space<vmem>>, vector<1x2560x256xbf16>
    %get3A_6 = vector.shape_cast %get3A_5 : vector<1x2560x256xbf16> to vector<2560x256xbf16>
    %convert_element_type3A = arith.extf %get3A_6 : vector<2560x256xbf16> to vector<2560x256xf32>
    %get3A_7 = arith.constant 1 : index
    %get3A_8 = arith.constant 0 : index
    %get3A_9 = arith.constant 0 : index
    %get3A_10 = vector.load %arg1[%get3A_7, %get3A_8, %get3A_9] : memref<2x2560x256xbf16, #tpu.memory_space<vmem>>, vector<1x2560x256xbf16>
    %get3A_11 = vector.shape_cast %get3A_10 : vector<1x2560x256xbf16> to vector<2560x256xbf16>
    %convert_element_type3A_12 = arith.extf %get3A_11 : vector<2560x256xbf16> to vector<2560x256xf32>
    %add3A = arith.addf %convert_element_type3A, %convert_element_type3A_12 : vector<2560x256xf32>
    %get3A_13 = arith.constant 0 : index
    %get3A_14 = arith.constant 0 : index
    %get3A_15 = vector.load %arg2[%get3A_13, %get3A_14] : memref<2560x256xbf16, #tpu.memory_space<vmem>>, vector<2560x256xbf16>
    %convert_element_type3A_16 = arith.extf %get3A_15 : vector<2560x256xbf16> to vector<2560x256xf32>
    %add3A_17 = arith.addf %add3A, %convert_element_type3A_16 : vector<2560x256xf32>
    %slice3A = vector.extract_strided_slice %get3A_1 {offsets = [0, 0], sizes = [2560, 1], strides = [1, 1]} : vector<2560x128xf32> to vector<2560x1xf32>
    %mul3A = vector.broadcast %slice3A : vector<2560x1xf32> to vector<2560x256xf32>
    %mul3A_18 = arith.mulf %add3A_17, %mul3A : vector<2560x256xf32>
    %get3A_19 = arith.constant 0 : index
    %get3A_20 = arith.constant 0 : index
    %get3A_21 = vector.load %arg4[%get3A_19, %get3A_20] : memref<1x256xf32, #tpu.memory_space<vmem>>, vector<1x256xf32>
    %add3A_22 = vector.broadcast %get3A_21 : vector<1x256xf32> to vector<2560x256xf32>
    %add3A_23 = arith.addf %mul3A_18, %add3A_22 : vector<2560x256xf32>
    %max3A = arith.constant 0.000000e+00 : f32
    %max3A_24 = vector.broadcast %max3A : f32 to vector<2560x256xf32>
    %max3A_25 = arith.maximumf %add3A_23, %max3A_24 : vector<2560x256xf32>
    %get3A_26 = arith.constant 0 : index
    %get3A_27 = arith.constant 0 : index
    %get3A_28 = vector.load %arg5[%get3A_26, %get3A_27] : memref<256x128xf32, #tpu.memory_space<vmem>>, vector<256x128xf32>
    %dot_general3A = arith.constant dense<0.000000e+00> : vector<2560x128xf32>
    %dot_general3A_29 = tpu.matmul %max3A_25, %get3A_28, %dot_general3A {dimension_numbers = #tpu.dot_dimension_numbers<[1], [0], [0], [1], [0, 0, 1, 1], [], []>, transpose_lhs_hint = false} : vector<2560x256xf32>, vector<256x128xf32>, vector<2560x128xf32> -> vector<2560x128xf32>
    %mul3A_30 = arith.mulf %dot_general3A_29, %get3A_1 : vector<2560x128xf32>
    %swap3A = arith.constant 0 : index
    %swap3A_31 = arith.constant 0 : index
    %swap3A_32 = vector.load %arg6[%swap3A, %swap3A_31] : memref<2560x128xf32, #tpu.memory_space<vmem>>, vector<2560x128xf32>
    tpu.vector_store %arg6[%swap3A, %swap3A_31], %mul3A_30 {strides = array<i32>} : memref<2560x128xf32, #tpu.memory_space<vmem>>, vector<2560x128xf32>,
    return
  }
  func.func @transform_0(%arg0: i32) -> (i32, i32, i32) {
    %c0_i32 = arith.constant 0 : i32
    %c0_i32_0 = arith.constant 0 : i32
    %c0_i32_1 = arith.constant 0 : i32
    return %c0_i32, %arg0, %c0_i32_0 : i32, i32, i32
  }
  func.func @transform_1(%arg0: i32) -> (i32, i32) {
    %c0_i32 = arith.constant 0 : i32
    %c0_i32_0 = arith.constant 0 : i32
    return %arg0, %c0_i32 : i32, i32
  }
  func.func @transform_2(%arg0: i32) -> (i32, i32) {
    %c0_i32 = arith.constant 0 : i32
    %c0_i32_0 = arith.constant 0 : i32
    return %arg0, %c0_i32 : i32, i32
  }
  func.func @transform_3(%arg0: i32) -> (i32, i32) {
    %c0_i32 = arith.constant 0 : i32
    %c0_i32_0 = arith.constant 0 : i32
    %c0_i32_1 = arith.constant 0 : i32
    return %c0_i32, %c0_i32_0 : i32, i32
  }
  func.func @transform_4(%arg0: i32) -> (i32, i32) {
    %c0_i32 = arith.constant 0 : i32
    %c0_i32_0 = arith.constant 0 : i32
    %c0_i32_1 = arith.constant 0 : i32
    return %c0_i32, %c0_i32_0 : i32, i32
  }
  func.func @transform_5(%arg0: i32) -> (i32, i32) {
    %c0_i32 = arith.constant 0 : i32
    %c0_i32_0 = arith.constant 0 : i32
    return %arg0, %c0_i32 : i32, i32
  }
}

module attributes {stable_mosaic.version = 14 : i64} {
  func.func @_final_body(%arg0: memref<2x10240x128xf32, #tpu.memory_space<vmem>>, %arg1: memref<10240x128xf32, #tpu.memory_space<vmem>>, %arg2: memref<10240x128xf32, #tpu.memory_space<vmem>>, %arg3: memref<1x128xf32, #tpu.memory_space<vmem>>, %arg4: memref<1x10240xi32, #tpu.memory_space<vmem>>, %arg5: memref<64x128xf32, #tpu.memory_space<vmem>>) attributes {dimension_semantics = [], scalar_prefetch = 0 : i64, scratch_operands = 0 : i64, tpu.core_type = #tpu.core_type<tc>} {
    %get3A = arith.constant 0 : index
    %get3A_0 = arith.constant 0 : index
    %get3A_1 = arith.constant 0 : index
    %get3A_2 = vector.load %arg0[%get3A, %get3A_0, %get3A_1] : memref<2x10240x128xf32, #tpu.memory_space<vmem>>, vector<1x10240x128xf32>
    %get3A_3 = vector.shape_cast %get3A_2 : vector<1x10240x128xf32> to vector<10240x128xf32>
    %get3A_4 = arith.constant 1 : index
    %get3A_5 = arith.constant 0 : index
    %get3A_6 = arith.constant 0 : index
    %get3A_7 = vector.load %arg0[%get3A_4, %get3A_5, %get3A_6] : memref<2x10240x128xf32, #tpu.memory_space<vmem>>, vector<1x10240x128xf32>
    %get3A_8 = vector.shape_cast %get3A_7 : vector<1x10240x128xf32> to vector<10240x128xf32>
    %add3A = arith.addf %get3A_3, %get3A_8 : vector<10240x128xf32>
    %get3A_9 = arith.constant 0 : index
    %get3A_10 = arith.constant 0 : index
    %get3A_11 = vector.load %arg1[%get3A_9, %get3A_10] : memref<10240x128xf32, #tpu.memory_space<vmem>>, vector<10240x128xf32>
    %add3A_12 = arith.addf %add3A, %get3A_11 : vector<10240x128xf32>
    %get3A_13 = arith.constant 0 : index
    %get3A_14 = arith.constant 0 : index
    %get3A_15 = vector.load %arg2[%get3A_13, %get3A_14] : memref<10240x128xf32, #tpu.memory_space<vmem>>, vector<10240x128xf32>
    %mul3A = arith.mulf %add3A_12, %get3A_15 : vector<10240x128xf32>
    %get3A_16 = arith.constant 0 : index
    %get3A_17 = arith.constant 0 : index
    %get3A_18 = vector.load %arg3[%get3A_16, %get3A_17] : memref<1x128xf32, #tpu.memory_space<vmem>>, vector<1x128xf32>
    %add3A_19 = vector.broadcast %get3A_18 : vector<1x128xf32> to vector<10240x128xf32>
    %add3A_20 = arith.addf %mul3A, %add3A_19 : vector<10240x128xf32>
    %get3A_21 = arith.constant 0 : index
    %get3A_22 = arith.constant 0 : index
    %get3A_23 = vector.load %arg4[%get3A_21, %get3A_22] : memref<1x10240xi32, #tpu.memory_space<vmem>>, vector<1x10240xi32>
    %iota3A = tpu.iota {dimensions = array<i32: 0>} : vector<64x10240xi32>
    %broadcast_in_dim3A = vector.shape_cast %get3A_23 : vector<1x10240xi32> to vector<1x10240xi32>
    %broadcast_in_dim3A_24 = vector.broadcast %broadcast_in_dim3A : vector<1x10240xi32> to vector<64x10240xi32>
    %eq3A = arith.cmpi eq, %broadcast_in_dim3A_24, %iota3A : vector<64x10240xi32>
    %convert_element_type3A = arith.extui %eq3A : vector<64x10240xi1> to vector<64x10240xi32>
    %convert_element_type3A_25 = arith.sitofp %convert_element_type3A : vector<64x10240xi32> to vector<64x10240xf32>
    %dot_general3A = arith.constant dense<0.000000e+00> : vector<64x128xf32>
    %dot_general3A_26 = tpu.matmul %convert_element_type3A_25, %add3A_20, %dot_general3A {dimension_numbers = #tpu.dot_dimension_numbers<[1], [0], [0], [1], [0, 0, 1, 1], [], []>, transpose_lhs_hint = false} : vector<64x10240xf32>, vector<10240x128xf32>, vector<64x128xf32> -> vector<64x128xf32>
    %reduce_sum3A = arith.constant dense<0.000000e+00> : vector<64xf32>
    %reduce_sum3A_27 = vector.multi_reduction <add>, %convert_element_type3A_25, %reduce_sum3A [1] : vector<64x10240xf32> to vector<64xf32>
    %broadcast_in_dim3A_28 = vector.shape_cast %reduce_sum3A_27 : vector<64xf32> to vector<64x1xf32>
    %max3A = arith.constant 1.000000e+00 : f32
    %max3A_29 = vector.broadcast %max3A : f32 to vector<64x1xf32>
    %max3A_30 = arith.maximumf %broadcast_in_dim3A_28, %max3A_29 : vector<64x1xf32>
    %div3A = vector.broadcast %max3A_30 : vector<64x1xf32> to vector<64x128xf32>
    %div3A_31 = arith.divf %dot_general3A_26, %div3A : vector<64x128xf32>
    %mul3A_32 = arith.mulf %div3A_31, %div3A_31 : vector<64x128xf32>
    %reduce_sum3A_33 = arith.constant dense<0.000000e+00> : vector<64xf32>
    %reduce_sum3A_34 = vector.multi_reduction <add>, %mul3A_32, %reduce_sum3A_33 [1] : vector<64x128xf32> to vector<64xf32>
    %broadcast_in_dim3A_35 = vector.shape_cast %reduce_sum3A_34 : vector<64xf32> to vector<64x1xf32>
    %sqrt3A = math.sqrt %broadcast_in_dim3A_35 : vector<64x1xf32>
    %max3A_36 = arith.constant 9.99999996E-13 : f32
    %max3A_37 = vector.broadcast %max3A_36 : f32 to vector<64x1xf32>
    %max3A_38 = arith.maximumf %sqrt3A, %max3A_37 : vector<64x1xf32>
    %div3A_39 = vector.broadcast %max3A_38 : vector<64x1xf32> to vector<64x128xf32>
    %div3A_40 = arith.divf %div3A_31, %div3A_39 : vector<64x128xf32>
    %swap3A = arith.constant 0 : index
    %swap3A_41 = arith.constant 0 : index
    %swap3A_42 = vector.load %arg5[%swap3A, %swap3A_41] : memref<64x128xf32, #tpu.memory_space<vmem>>, vector<64x128xf32>
    tpu.vector_store %arg5[%swap3A, %swap3A_41], %div3A_40 {strides = array<i32>} : memref<64x128xf32, #tpu.memory_space<vmem>>, vector<64x128xf32>,
    return
  }
}

</mosaic_0001>

<sc_bundles>
// kernel: kernel.10.cloned.1.call-start
scs
__scs_entry_jumppad:
0x0: {  	(pc) =	sbr.rel $0x88, $3  }
0x1: {  	(tag) =	ssettag $0x0;
	lr =	simm.s32 $0x1  }
0x2: {  	[smem:$0x3F98] =	sst lr;
	_ =	strace $0xD0000000  }
0x3: {  	_ = 	snop  }
0x4: {  	_ = 	snop  }
0x5: {  	_ = 	snop  }
0x6: {  	_ = 	snop  }
0x7: {  	_ = 	snop  }
__scs_overlays_trampoline_lowered:
0x8: {  	[smem:$0x3FA7] =	sst s0  }
0x9: {  	[smem:$0x3FA8] =	sst s1  }
0xa: {  	[smem:$0x3FA9] =	sst s2  }
0xb: {  	[smem:$0x3FAA] =	sst s3  }
0xc: {  	[smem:$0x3FAB] =	sst s4  }
0xd: {  	[smem:$0x3FAC] =	sst s5  }
0xe: {  	[smem:$0x3FAD] =	sst s6  }
0xf: {  	[smem:$0x3FAE] =	sst s7  }
0x10: {  	[smem:$0x3FAF] =	sst s8  }
0x11: {  	[smem:$0x3FB0] =	sst s9;
	s0 =	simm.s32 @!p0 $0x0  }
0x12: {  	s1 =	sld [smem:$0x3F96];
	s0 =	simm.s32 @p0 $0x1  }
0x13: {  	[smem:$0x3FB1] =	sst s0;
	s0 =	simm.s32 @!p1 $0x0  }
0x14: {  	s2 =	sld [smem:$0x3F95];
	s0 =	simm.s32 @p1 $0x1  }
0x15: {  	[smem:$0x3FB2] =	sst s0;
	s0 =	simm.s32 @!p2 $0x0  }
0x16: {  	s3 =	sld [smem:$0x3FDB];
	s0 =	simm.s32 @p2 $0x1  }
0x17: {  	s4 =	simm.s32 $0x1BF5;
	[smem:$0x3FB4] =	sst s0  }
0x18: {  	s0 =	sld [smem:$0x3F97];
	_ =	swait.ge [sflag:s4], $0x0  }
0x19: {  	s7 =	sld [smem:$0x3F98]  }
0x1a: {  	s8 =	sadd.s32 $0xFFFFE003, lr  }
0x1b: {  	s9 =	sadd.s32 $0xFFFFFEF7, lr;
	s5 =	simm.s32 $0xFFFFFFFF;
	p2 =	slt.u32 s8, $0xFFFFF086  }
0x1c: {  	p1 =	slt.u32 s9, $0xF7A;
	s5 =	simm.s32 @!p2 $0x0  }
0x1d: {  	s5 =	simm.s32 @p1 $0x1;
	p0 =	seq.s32 s7, s2  }
0x1e: {  	s7 =	smul.u32 @!p0 $0xF7A, s2;
	p2 =	seq.s32 @!p0 s5, $0x0  }
0x1f: {  	s9 =	smul.u32 $0xF7A, s1;
	s8 =	simm.s32 @!p0 $0x1BF5;
	p2 =	por !p2, p0  }
0x20: {  	[sflag:s8] =	ssyncset.s32 @!p0 $0xFFFFF086;
	s6 =	sadd.s32 @!p0 s3, s7;
	s7 =	simm.s32 @!p0 $0x108  }
0x21: {  	s3 =	sadd.s32 s3, s9;
	s6 =	sadd.s32 @!p0 $0x88, s6;
	s7 =	simm.s32 @p2 $0x1082  }
0x22: {  	[simem:s7], [sflag:s8] =	dma.local @!p0 [hbm:s6], $0xF7A  }
0x23: {  	s9 =	sor.u32 $0xD0000000, s2;
	s6 =	simm.s32 $0x108;
	_ =	swait.ge @!p0 [sflag:s8], $0x0  }
0x24: {  	s3 =	sadd.s32 $0x88, s3;
	s6 =	simm.s32 @!p1 $0x1082;
	[sflag:s4] =	ssyncset.s32 $0xFFFFF086  }
0x25: {  	[simem:s6], [sflag:s4] =	dma.local [hbm:s3], $0xF7A  }
0x26: {  	[smem:$0x3F98] =	sst s1;
	(tag) =	ssettag s2;
	_ =	strace s9  }
0x27: {  	s1 =	sld [smem:$0x3FA8]  }
0x28: {  	s2 =	sld [smem:$0x3FA9]  }
0x29: {  	s4 =	sld [smem:$0x3FAB]  }
0x2a: {  	p0 =	seq.s32 s5, $0x0;
	s5 =	sld [smem:$0x3FAC]  }
0x2b: {  	s6 =	sld [smem:$0x3FAD]  }
0x2c: {  	s7 =	sld [smem:$0x3FAE]  }
0x2d: {  	s3 =	simm.s32 $0x108;
	s8 =	sld [smem:$0x3FAF]  }
0x2e: {  	s3 =	simm.s32 @!p0 $0x1082;
	s9 =	sld [smem:$0x3FB0]  }
0x2f: {  	lr =	sadd.s32 s0, s3;
	s0 =	sld [smem:$0x3FA7]  }
0x30: {  	s3 =	sld [smem:$0x3FAA]  }
0x31: {  	[smem:$0x3FB3] =	sst s10  }
0x32: {  	s10 =	sld [smem:$0x3FB1];
	_ =	sdelay $0x3  }
0x33: {  	p0 =	seq.s32 s10, $0x1;
	s10 =	sld [smem:$0x3FB3];
	_ =	sdelay $0x3  }
0x34: {  	[smem:$0x3FB3] =	sst s10  }
0x35: {  	s10 =	sld [smem:$0x3FB2];
	_ =	sdelay $0x3  }
0x36: {  	p1 =	seq.s32 s10, $0x1;
	s10 =	sld [smem:$0x3FB3];
	_ =	sdelay $0x3  }
0x37: {  	[smem:$0x3FB3] =	sst s10  }
0x38: {  	s10 =	sld [smem:$0x3FB4]  }
0x39: {  	_ = 	snop;
	(pc) =	sbr.ind lr, $3  }
0x3a: {  	_ = 	snop  }
0x3b: {  	_ = 	snop  }
0x3c: {  	p2 =	seq.s32 s10, $0x1;
	s10 =	sld [smem:$0x3FB3]  }
0x3d: {  	_ =	shalt  }
0x3e: {  	_ =	shalt  }
0x3f: {  	_ =	shalt  }
0x40: {  	_ =	shalt  }
0x41: {  	_ =	shalt  }
0x42: {  	_ =	shalt  }
0x43: {  	_ =	shalt  }
0x44: {  	_ =	shalt  }
0x45: {  	_ =	shalt  }
0x46: {  	_ =	shalt  }
0x47: {  	_ =	shalt  }
0x48: {  	_ =	shalt  }
0x49: {  	_ =	shalt  }
0x4a: {  	_ =	shalt  }
0x4b: {  	_ =	shalt  }
0x4c: {  	_ =	shalt  }
0x4d: {  	_ =	shalt  }
0x4e: {  	_ =	shalt  }
0x4f: {  	_ =	shalt  }
0x50: {  	_ =	shalt  }
0x51: {  	_ =	shalt  }
0x52: {  	_ =	shalt  }
0x53: {  	_ =	shalt  }
0x54: {  	_ =	shalt  }
0x55: {  	_ =	shalt  }
0x56: {  	_ =	shalt  }
0x57: {  	_ =	shalt  }
0x58: {  	_ =	shalt  }
0x59: {  	_ =	shalt  }
0x5a: {  	_ =	shalt  }
0x5b: {  	_ =	shalt  }
0x5c: {  	_ =	shalt  }
0x5d: {  	_ =	shalt  }
0x5e: {  	_ =	shalt  }
0x5f: {  	_ =	shalt  }
0x60: {  	_ =	shalt  }
0x61: {  	_ =	shalt  }
0x62: {  	_ =	shalt  }
0x63: {  	_ =	shalt  }
0x64: {  	_ =	shalt  }
0x65: {  	_ =	shalt  }
0x66: {  	_ =	shalt  }
0x67: {  	_ =	shalt  }
0x68: {  	_ =	shalt  }
0x69: {  	_ =	shalt  }
0x6a: {  	_ =	shalt  }
0x6b: {  	_ =	shalt  }
0x6c: {  	_ =	shalt  }
0x6d: {  	_ =	shalt  }
0x6e: {  	_ =	shalt  }
0x6f: {  	_ =	shalt  }
0x70: {  	_ =	shalt  }
0x71: {  	_ =	shalt  }
0x72: {  	_ =	shalt  }
0x73: {  	_ =	shalt  }
0x74: {  	_ =	shalt  }
0x75: {  	_ =	shalt  }
0x76: {  	_ =	shalt  }
0x77: {  	_ =	shalt  }
0x78: {  	_ =	shalt  }
0x79: {  	_ =	shalt  }
0x7a: {  	_ =	shalt  }
0x7b: {  	_ =	shalt  }
0x7c: {  	_ =	shalt  }
0x7d: {  	_ =	shalt  }
0x7e: {  	_ =	shalt  }
0x7f: {  	_ =	shalt  }
0x80: {  	_ =	shalt  }
0x81: {  	_ =	shalt  }
0x82: {  	_ =	shalt  }
0x83: {  	_ =	shalt  }
0x84: {  	_ =	shalt  }
0x85: {  	_ =	shalt  }
0x86: {  	_ =	shalt  }
0x87: {  	_ =	shalt  }
.Lfunc_end0:
.L_simem_size_0:
called_computation_lowered:
.L_overlay_start_0:
0x88: {  	s2 =	sld [smem:$0x3FD9]  }
0x89: {  	s3 =	sld [smem:$0x3FFE];
	_ =	sdelay $0x1  }
0x8a: {  	s1 =	srdreg.scid  }
0x8b: {  	s0 =	sand.u32 $0x1, s1  }
0x8c: {  	s16 =	sshll.u32 s0, $0xA;
	s2 =	sadd.s32 s3, s2  }
0x8d: {  	s2 =	sadd.s32 s2, s16  }
0x8e: {  	[smem:$0x3FBF] =	sst s2  }
0x8f: {  	_ = 	snop  }
0x90: {  	(tm) =	ssettm $0x1  }
0x91: {  	s17 =	sld [smem:$0x3FFB];
	_ =	sdelay $0x3  }
0x92: {  	_ =	strace s17  }
0x93: {  	s2 =	sld [smem:$0x3FFC];
	_ =	sdelay $0x3  }
0x94: {  	_ =	strace s2  }
0x95: {  	s2 =	sld [smem:$0x3FFD];
	_ =	sdelay $0x3  }
0x96: {  	_ =	strace s2  }
0x97: {  	_ =	strace $0x8FFFFFFF  }
0x98: {  	s18 =	sld [smem:$0x3FDB];
	_ =	sdelay $0x1  }
0x99: {  	s19 =	simm.s32 $_scs_section_size  }
0x9a: {  	s4 =	simm.s32 $_size__tile_overlayer_lowered;
	s5 =	simm.s32 $_tile_overlayer_lowered  }
0x9b: {  	s22 =	simm.s32 $0x1BFF;
	s21 =	sshll.u32 s5, $0x1;
	s2 =	sadd.s32 s19, s18  }
0x9c: {  	s6 =	simm.s32 $0x0;
	s20 =	sshll.u32 s4, $0x1;
	s4 =	sadd.s32 s21, s2  }
0x9d: {  	[timem:s6], [sflag:s22] =	dma.local [hbm:s4], s20  }
0x9e: {  	_ =	swait.ge [sflag:s22], s20  }
0x9f: {  	s3 =	ssub.s32 $0x0, s20;
	[sflag:s22] =	ssyncset.done $0x0  }
0xa0: {  	[sflag:s22] =	ssyncadd.s32 s3;
	_ =	sdelay $0x1  }
0xa1: {  	s23 =	simm.s32 $0x1B8B  }
0xa2: {  	_ =	swait.ge [sflag:s23], $0x1  }
0xa3: {  	[sflag:s23] =	ssyncset.done $0x0  }
0xa4: {  	s25 =	simm.s32 $0x1B8E;
	s24 =	sld [smem:$0x3FFE];
	[sflag:s23] =	ssyncadd.s32 $0xFFFFFFFF  }
0xa5: {  	s26 =	simm.s32 $execute0_lowered;
	[smem:$0x3FD2] =	sst s25  }
0xa6: {  	s4 =	sshll.u32 s26, $0x1;
	_ =	strace $0x80000046;
	[dreg:$0x1] =	wrdreg $0xFFFFFFFF  }
0xa7: {  	s28 =	simm.s32 $_size_execute0_lowered;
	s2 =	sadd.s32 s2, s4;
	[dreg:$0x0] =	wrdreg $0x0  }
0xa8: {  	s4 =	sshll.u32 s28, $0x1;
	[dreg:$0x2] =	wrdreg s2  }
0xa9: {  	[dreg:$0x3] =	wrdreg s4  }
0xaa: {  	[dreg:$0x4] =	wrdreg $0xC0  }
0xab: {  	_ =	task [dreg:s6], $0x5FFFF  }
0xac: {  	[dreg:$0x1] =	wrdreg $0xFFFFFFFF  }
0xad: {  	[dreg:$0x0] =	wrdreg $0x60  }
0xae: {  	[dreg:$0x2] =	wrdreg s24  }
0xaf: {  	[dreg:$0x3] =	wrdreg $0x41000  }
0xb0: {  	[dreg:$0x4] =	wrdreg $0x9  }
0xb1: {  	_ =	task.clear_ibuf [dreg:s6], $0x5FFFF;
	_ =	strace $0x90000046  }
0xb2: {  	s29 =	simm.s32 $0x9;
	_ =	strace $0x80000048  }
0xb3: {  	_ =	swait.ge [sflag:s29], $0x1  }
0xb4: {  	[sflag:s29] =	ssyncadd.s32 $0xFFFFFFFF  }
0xb5: {  	_ =	strace $0x90000048  }
0xb6: {  	_ =	sfence  }
0xb7: {  	s30 =	sld [smem:$0x0];
	_ =	sdelay $0x2  }
0xb8: {  	s31 =	sshll.u32 s1, $0xD;
	s1 =	sshrl.u32 s1, $0x2  }
0xb9: {  	s3 =	sand.u32 $0x4000, s31;
	s1 =	sadd.s32 s1, s30  }
0xba: {  	s0 =	sor.u32 s3, s0;
	s1 =	sshll.u32 s1, $0x11  }
0xbb: {  	s0 =	sor.u32 s1, s0  }
0xbc: {  	s0 =	sadd.s32 $0x8F2B, s0  }
0xbd: {  	[sflag:s0] =	ssyncadd.remote.s32 $0x1  }
0xbe: {  	_ =	sfence.sel $0xFFFF  }
0xbf: {  	[dreg:$0x0] =	wrdreg $0xFFFFFFFF;
	(pc) =	sbr.abs _section_cstart, $3  }
0xc0: {  	[dreg:$0x1] =	wrdreg $0xFFFFFFFF  }
0xc1: {  	_ =	task.clear_ibuf [dreg:s6], $0x2FFFF;
	_ =	strace $0x9FFFFFFF  }
0xc2: {  	(tm) =	ssettm $0x7FFFFFFF  }
0xc3: {  	_ =	shalt  }
tec
execute0_lowered:
.L_overlay_start_1:
0x0: {  	(tag) =	ssettag $0x1  }
0x1: {  	s5 =	rddreg [dreg:$0x0]  }
0x2: {  	s2 =	rddreg [dreg:$0x1]  }
0x3: {  	s0 =	rddreg [dreg:$0x2]  }
0x4: {  	s3 =	simm.s32 $0x0;
	s1 =	stileid.u32;
	s4 =	srdreg.scid  }
0x5: {  	[smem:$0x7FF] =	sst s3;
	s6 =	smul.u32 $0x14000, s1  }
0x6: {  	s15 =	sand.u32 $0x1, s4;
	s10 =	sadd.s32 $0x2600, s5;
	s9 =	smul.u32 $0x50000, s1  }
0x7: {  	s4 =	sadd.s32 $0x46E00, s5;
	s11 =	smul.u32 $0xE400, s1;
	s28 =	sshll.u32 s1, $0x6  }
0x8: {  	_ =	strace $0x80000047;
	s7 =	smul.u32 $0x140000, s15;
	s25 =	ssub.s32 $0x2, s15  }
0x9: {  	s13 =	smul.u32 $0x7200, s15;
	p0 =	seq.s32 s15, $0x0;
	s15 =	simm.s32 $0x0  }
0xa: {  	s24 =	sshrl.u32 s6, $0x3;
	s12 =	sshrl.u32 s25, $0x1;
	s26 =	sshrl.u32 s9, $0x2  }
0xb: {  	s8 =	sadd.s32 s24, s5;
	s6 =	sadd.s32 s6, s7;
	s12 =	ssub.s32 s25, s12  }
0xc: {  	s16 =	sadd.s32 s26, s2;
	s29 =	sadd.s32 s13, s11;
	s13 =	simm.s32 $0x100  }
.Ltmp0:
0xd: {  	s6 =	sshrl.u32 s6, $0x3;
	s30 =	sadd.s32 $0x2E00, s29;
	(pc) =	sbr.rel .LBB2_1-.Ltmp0, $4  }
0xe: {  	s9 =	sshrl.u32 s29, $0x3;
	s11 =	sshrl.u32 s16, $0x3;
	s14 =	sadd.s32 s6, s5  }
0xf: {  	s5 =	sadd.s32 $0x1EE00, s8;
	s6 =	sor.u32 $0x1C01, s28;
	s31 =	sshrl.u32 s30, $0x3  }
0x10: {  	s8 =	smax.u32 s12, $0x1;
	s9 =	sadd.s32 s9, s10;
	s12 =	simm.s32 $0x1  }
0x11: {  	s7 =	sadd.s32 $0x47600, s14;
	s10 =	sadd.s32 s31, s10;
	s14 =	simm.s32 $0x80  }
.LBB2_6:
0x12: {  	s16 =	sadd.s32 s16, s10;
	[sflag:s12] =	ssyncadd.s32 $0xFFFFC000  }
0x13: {  	[tilespmem:s3], [sflag:$0x1] =	stream.linear.gather [hbm4b:s16+s3], $0x100, $0x38;
	[tilespmem:$0x18100] =	vst v63  }
0x14: {  	_ =	swait.ge [sflag:s12], $0x100  }
0x15: {  	[sflag:s12] =	ssyncset.done $0x0  }
0x16: {  	[sflag:s12] =	ssyncadd.s32 $0xFFFFFF00  }
0x17: {  	[spmem:s2] =	stream.indirect.scatter.add.f32 [tilespmem:s13], [sflag:$0x1], $0x80, s14, s14, $0xb8;
	[tilespmem:$0x18100] =	vst v63  }
0x18: {  	_ =	swait.ge [sflag:s12], $0x4000  }
0x19: {  	[sflag:s12] =	ssyncset.done $0x0  }
0x1a: {  	[sflag:s12] =	ssyncadd.s32 $0xFFFFC000  }
.LBB2_7:
0x1b: {  	s15 =	sadd.s32 $0x1, s15  }
0x1c: {  	p1 =	sne.s32 s15, s8  }
.Ltmp1:
0x1d: {  	[bflag:$0x0] =	sbarrier.arrive $0xFFFF;
	(pc) =	sbr.rel @!p1 .LBB2_8-.Ltmp1, $4  }
0x1e: {  	[hbm:s7], [sflag:s6] =	dma.local [spmem:s11], $0x2800  }
0x1f: {  	_ =	swait.ge [sflag:s12], $0x2800  }
0x20: {  	[sflag:s12] =	ssyncset.done $0x0  }
0x21: {  	[sflag:s12] =	ssyncadd.s32 $0xFFFFD800  }
.LBB2_1:
0x22: {  	[spmem:s11], [sflag:s6] =	dma.local [hbm:s5], $0x2800  }
0x23: {  	_ =	swait.ge [sflag:s12], $0x2800  }
0x24: {  	[sflag:s12] =	ssyncset.done $0x0  }
0x25: {  	[sflag:s12] =	ssyncadd.s32 $0xFFFFD800  }
0x26: {  	[tilespmem:s13], [sflag:$0x1] =	stream.linear.gather [hbm4b:s4+s3], $0x4000, $0x38;
	[tilespmem:$0x18100] =	vst v63  }
0x27: {  	_ =	swait.ge [sflag:s12], $0x4000  }
0x28: {  	[sflag:s12] =	ssyncset.done $0x0  }
0x29: {  	[sflag:s12] =	ssyncadd.s32 $0xFFFFC000  }
0x2a: {  	s16 =	sadd.s32 $0x0, s9;
	[bflag:$0x0] =	sbarrier.arrive $0xFFFF  }
0x2b: {  	[tilespmem:s3], [sflag:$0x1] =	stream.linear.gather [hbm4b:s16+s3], $0x100, $0x38;
	[tilespmem:$0x18100] =	vst v63  }
0x2c: {  	_ =	swait.ge [sflag:s12], $0x100  }
0x2d: {  	[sflag:s12] =	ssyncset.done $0x0  }
0x2e: {  	[sflag:s12] =	ssyncadd.s32 $0xFFFFFF00  }
0x2f: {  	[spmem:s2] =	stream.indirect.scatter.add.f32 [tilespmem:s13], [sflag:$0x1], $0x80, s14, s14, $0xb8;
	[tilespmem:$0x18100] =	vst v63  }
0x30: {  	_ =	swait.ge [sflag:s12], $0x4000  }
0x31: {  	s17 =	simm.s32 $0x40;
	s16 =	simm.s32 $0x20;
	[sflag:s12] =	ssyncset.done $0x0  }
.LBB2_2:
0x32: {  	s18 =	sadd.s32 s16, s9  }
0x33: {  	[sflag:s12] =	ssyncadd.s32 $0xFFFFC000;
	s16 =	smov.u32 s17;
	s19 =	sadd.s32 $0x20, s17  }
0x34: {  	[tilespmem:s3], [sflag:$0x1] =	stream.linear.gather [hbm4b:s18+s3], $0x100, $0x38;
	[tilespmem:$0x18100] =	vst v63  }
0x35: {  	p1 =	sne.s32 s17, $0x5A0;
	_ =	swait.ge [sflag:s12], $0x100  }
.Ltmp2:
0x36: {  	[sflag:s12] =	ssyncset.done $0x0;
	(pc) =	sbr.rel @p1 .LBB2_2-.Ltmp2, $4  }
0x37: {  	[sflag:s12] =	ssyncadd.s32 $0xFFFFFF00  }
0x38: {  	[spmem:s2] =	stream.indirect.scatter.add.f32 [tilespmem:s13], [sflag:$0x1], $0x80, s14, s14, $0xb8;
	[tilespmem:$0x18100] =	vst v63  }
0x39: {  	_ =	swait.ge [sflag:s12], $0x4000  }
0x3a: {  	s17 =	smov.u32 s19;
	[sflag:s12] =	ssyncset.done $0x0  }
0x3b: {  	s16 =	sadd.s32 s16, s9;
	[sflag:s12] =	ssyncadd.s32 $0xFFFFC000  }
0x3c: {  	[tilespmem:s3], [sflag:$0x1] =	stream.linear.gather [hbm4b:s16+s3], $0x100, $0x38;
	[tilespmem:$0x18100] =	vst v63  }
0x3d: {  	_ =	swait.ge [sflag:s12], $0x100  }
0x3e: {  	[sflag:s12] =	ssyncset.done $0x0  }
.Ltmp3:
0x3f: {  	[sflag:s12] =	ssyncadd.s32 $0xFFFFFF00;
	(pc) =	sbr.rel @p0 .LBB2_7-.Ltmp3, $4  }
0x40: {  	[spmem:s2] =	stream.indirect.scatter.add.f32 [tilespmem:s13], [sflag:$0x1], $0x80, s14, s14, $0xb8;
	[tilespmem:$0x18100] =	vst v63  }
0x41: {  	_ =	swait.ge [sflag:s12], $0x4000  }
0x42: {  	[sflag:s12] =	ssyncset.done $0x0  }
0x43: {  	[sflag:s12] =	ssyncadd.s32 $0xFFFFC000  }
0x44: {  	s16 =	sadd.s32 $0x0, s10  }
0x45: {  	[tilespmem:s3], [sflag:$0x1] =	stream.linear.gather [hbm4b:s16+s3], $0x100, $0x38;
	[tilespmem:$0x18100] =	vst v63  }
0x46: {  	_ =	swait.ge [sflag:s12], $0x100  }
0x47: {  	[sflag:s12] =	ssyncset.done $0x0  }
0x48: {  	[sflag:s12] =	ssyncadd.s32 $0xFFFFFF00  }
0x49: {  	[spmem:s2] =	stream.indirect.scatter.add.f32 [tilespmem:s13], [sflag:$0x1], $0x80, s14, s14, $0xb8;
	[tilespmem:$0x18100] =	vst v63  }
0x4a: {  	_ =	swait.ge [sflag:s12], $0x4000  }
0x4b: {  	s17 =	simm.s32 $0x40;
	s16 =	simm.s32 $0x20;
	[sflag:s12] =	ssyncset.done $0x0  }
.LBB2_5:
0x4c: {  	s18 =	sadd.s32 s16, s10  }
0x4d: {  	[sflag:s12] =	ssyncadd.s32 $0xFFFFC000;
	s16 =	smov.u32 s17;
	s19 =	sadd.s32 $0x20, s17  }
0x4e: {  	[tilespmem:s3], [sflag:$0x1] =	stream.linear.gather [hbm4b:s18+s3], $0x100, $0x38;
	[tilespmem:$0x18100] =	vst v63  }
0x4f: {  	p1 =	sne.s32 s17, $0x860;
	_ =	swait.ge [sflag:s12], $0x100  }
.Ltmp4:
0x50: {  	[sflag:s12] =	ssyncset.done $0x0;
	(pc) =	sbr.rel @p1 .LBB2_5-.Ltmp4, $4  }
0x51: {  	[sflag:s12] =	ssyncadd.s32 $0xFFFFFF00  }
0x52: {  	[spmem:s2] =	stream.indirect.scatter.add.f32 [tilespmem:s13], [sflag:$0x1], $0x80, s14, s14, $0xb8;
	[tilespmem:$0x18100] =	vst v63  }
0x53: {  	_ =	swait.ge [sflag:s12], $0x4000  }
0x54: {  	s17 =	smov.u32 s19;
	[sflag:s12] =	ssyncset.done $0x0  }
.Ltmp5:
0x55: {  	_ = 	snop;
	(pc) =	sbr.rel .LBB2_6-.Ltmp5, $1  }
0x56: {  	_ =	sdelay $0x3  }
.LBB2_8:
0x57: {  	_ =	sfence.sel $0x180000  }
0x58: {  	[bflag:$0x0] =	sbarrier.arrive $0xFFFF  }
0x59: {  	p0 =	sne.s32 s1, $0x0;
	_ =	strace $0x90000047  }
0x5a: {  	s0 =	sadd.s32 @!p0 $0x100000, s0;
	[bflag:$0x2] =	sbarrier.arrive $0xFFFF  }
0x5b: {  	[sflag:s0] =	ssyncadd.tile.s32 @!p0 $0x1;
	_ =	shalt  }
.Lfunc_end2:
_tile_overlayer_lowered:
.L_overlay_start_2:
0x5c: {  	(tag) =	ssettag $0x2  }
0x5d: {  	s0 =	rddreg [dreg:$0x0];
	s2 =	stileid.u32  }
0x5e: {  	s1 =	rddreg [dreg:$0x1];
	p0 =	sne.s32 s2, $0x0  }
0x5f: {  	s3 =	rddreg [dreg:$0x2];
	[bflag:$0x3] =	sbarrier.arrive $0xFFFF;
	s2 =	simm.s32 @!p0 $0x1C01  }
0x60: {  	[timem:s3], [sflag:s2] =	dma.local @!p0 [hbm:s0], s1  }
0x61: {  	s0 =	simm.s32 @!p0 $0x1  }
0x62: {  	_ =	swait.ge @!p0 [sflag:s0], s1  }
0x63: {  	s1 =	ssub.s32 @!p0 $0x0, s1;
	[sflag:s0] =	ssyncset.done @!p0 $0x0  }
0x64: {  	[sflag:s0] =	ssyncadd.s32 @!p0 s1  }
0x65: {  	[bflag:$0x3] =	sbarrier.arrive $0xFFFF  }
0x66: {  	_ =	shalt  }

// kernel: kernel.13.cloned.1.call-start
scs
__scs_entry_jumppad:
0x0: {  	(pc) =	sbr.rel $0x88, $3  }
0x1: {  	(tag) =	ssettag $0x0;
	lr =	simm.s32 $0x1  }
0x2: {  	[smem:$0x3F98] =	sst lr;
	_ =	strace $0xD0000000  }
0x3: {  	_ = 	snop  }
0x4: {  	_ = 	snop  }
0x5: {  	_ = 	snop  }
0x6: {  	_ = 	snop  }
0x7: {  	_ = 	snop  }
__scs_overlays_trampoline_lowered:
0x8: {  	[smem:$0x3FA7] =	sst s0  }
0x9: {  	[smem:$0x3FA8] =	sst s1  }
0xa: {  	[smem:$0x3FA9] =	sst s2  }
0xb: {  	[smem:$0x3FAA] =	sst s3  }
0xc: {  	[smem:$0x3FAB] =	sst s4  }
0xd: {  	[smem:$0x3FAC] =	sst s5  }
0xe: {  	[smem:$0x3FAD] =	sst s6  }
0xf: {  	[smem:$0x3FAE] =	sst s7  }
0x10: {  	[smem:$0x3FAF] =	sst s8  }
0x11: {  	[smem:$0x3FB0] =	sst s9;
	s0 =	simm.s32 @!p0 $0x0  }
0x12: {  	s1 =	sld [smem:$0x3F96];
	s0 =	simm.s32 @p0 $0x1  }
0x13: {  	[smem:$0x3FB1] =	sst s0;
	s0 =	simm.s32 @!p1 $0x0  }
0x14: {  	s2 =	sld [smem:$0x3F95];
	s0 =	simm.s32 @p1 $0x1  }
0x15: {  	[smem:$0x3FB2] =	sst s0;
	s0 =	simm.s32 @!p2 $0x0  }
0x16: {  	s3 =	sld [smem:$0x3FDB];
	s0 =	simm.s32 @p2 $0x1  }
0x17: {  	s4 =	simm.s32 $0x1BF5;
	[smem:$0x3FB4] =	sst s0  }
0x18: {  	s0 =	sld [smem:$0x3F97];
	_ =	swait.ge [sflag:s4], $0x0  }
0x19: {  	s7 =	sld [smem:$0x3F98]  }
0x1a: {  	s8 =	sadd.s32 $0xFFFFE003, lr  }
0x1b: {  	s9 =	sadd.s32 $0xFFFFFEF7, lr;
	s5 =	simm.s32 $0xFFFFFFFF;
	p2 =	slt.u32 s8, $0xFFFFF086  }
0x1c: {  	p1 =	slt.u32 s9, $0xF7A;
	s5 =	simm.s32 @!p2 $0x0  }
0x1d: {  	s5 =	simm.s32 @p1 $0x1;
	p0 =	seq.s32 s7, s2  }
0x1e: {  	s7 =	smul.u32 @!p0 $0xF7A, s2;
	p2 =	seq.s32 @!p0 s5, $0x0  }
0x1f: {  	s9 =	smul.u32 $0xF7A, s1;
	s8 =	simm.s32 @!p0 $0x1BF5;
	p2 =	por !p2, p0  }
0x20: {  	[sflag:s8] =	ssyncset.s32 @!p0 $0xFFFFF086;
	s6 =	sadd.s32 @!p0 s3, s7;
	s7 =	simm.s32 @!p0 $0x108  }
0x21: {  	s3 =	sadd.s32 s3, s9;
	s6 =	sadd.s32 @!p0 $0x88, s6;
	s7 =	simm.s32 @p2 $0x1082  }
0x22: {  	[simem:s7], [sflag:s8] =	dma.local @!p0 [hbm:s6], $0xF7A  }
0x23: {  	s9 =	sor.u32 $0xD0000000, s2;
	s6 =	simm.s32 $0x108;
	_ =	swait.ge @!p0 [sflag:s8], $0x0  }
0x24: {  	s3 =	sadd.s32 $0x88, s3;
	s6 =	simm.s32 @!p1 $0x1082;
	[sflag:s4] =	ssyncset.s32 $0xFFFFF086  }
0x25: {  	[simem:s6], [sflag:s4] =	dma.local [hbm:s3], $0xF7A  }
0x26: {  	[smem:$0x3F98] =	sst s1;
	(tag) =	ssettag s2;
	_ =	strace s9  }
0x27: {  	s1 =	sld [smem:$0x3FA8]  }
0x28: {  	s2 =	sld [smem:$0x3FA9]  }
0x29: {  	s4 =	sld [smem:$0x3FAB]  }
0x2a: {  	p0 =	seq.s32 s5, $0x0;
	s5 =	sld [smem:$0x3FAC]  }
0x2b: {  	s6 =	sld [smem:$0x3FAD]  }
0x2c: {  	s7 =	sld [smem:$0x3FAE]  }
0x2d: {  	s3 =	simm.s32 $0x108;
	s8 =	sld [smem:$0x3FAF]  }
0x2e: {  	s3 =	simm.s32 @!p0 $0x1082;
	s9 =	sld [smem:$0x3FB0]  }
0x2f: {  	lr =	sadd.s32 s0, s3;
	s0 =	sld [smem:$0x3FA7]  }
0x30: {  	s3 =	sld [smem:$0x3FAA]  }
0x31: {  	[smem:$0x3FB3] =	sst s10  }
0x32: {  	s10 =	sld [smem:$0x3FB1];
	_ =	sdelay $0x3  }
0x33: {  	p0 =	seq.s32 s10, $0x1;
	s10 =	sld [smem:$0x3FB3];
	_ =	sdelay $0x3  }
0x34: {  	[smem:$0x3FB3] =	sst s10  }
0x35: {  	s10 =	sld [smem:$0x3FB2];
	_ =	sdelay $0x3  }
0x36: {  	p1 =	seq.s32 s10, $0x1;
	s10 =	sld [smem:$0x3FB3];
	_ =	sdelay $0x3  }
0x37: {  	[smem:$0x3FB3] =	sst s10  }
0x38: {  	s10 =	sld [smem:$0x3FB4]  }
0x39: {  	_ = 	snop;
	(pc) =	sbr.ind lr, $3  }
0x3a: {  	_ = 	snop  }
0x3b: {  	_ = 	snop  }
0x3c: {  	p2 =	seq.s32 s10, $0x1;
	s10 =	sld [smem:$0x3FB3]  }
0x3d: {  	_ =	shalt  }
0x3e: {  	_ =	shalt  }
0x3f: {  	_ =	shalt  }
0x40: {  	_ =	shalt  }
0x41: {  	_ =	shalt  }
0x42: {  	_ =	shalt  }
0x43: {  	_ =	shalt  }
0x44: {  	_ =	shalt  }
0x45: {  	_ =	shalt  }
0x46: {  	_ =	shalt  }
0x47: {  	_ =	shalt  }
0x48: {  	_ =	shalt  }
0x49: {  	_ =	shalt  }
0x4a: {  	_ =	shalt  }
0x4b: {  	_ =	shalt  }
0x4c: {  	_ =	shalt  }
0x4d: {  	_ =	shalt  }
0x4e: {  	_ =	shalt  }
0x4f: {  	_ =	shalt  }
0x50: {  	_ =	shalt  }
0x51: {  	_ =	shalt  }
0x52: {  	_ =	shalt  }
0x53: {  	_ =	shalt  }
0x54: {  	_ =	shalt  }
0x55: {  	_ =	shalt  }
0x56: {  	_ =	shalt  }
0x57: {  	_ =	shalt  }
0x58: {  	_ =	shalt  }
0x59: {  	_ =	shalt  }
0x5a: {  	_ =	shalt  }
0x5b: {  	_ =	shalt  }
0x5c: {  	_ =	shalt  }
0x5d: {  	_ =	shalt  }
0x5e: {  	_ =	shalt  }
0x5f: {  	_ =	shalt  }
0x60: {  	_ =	shalt  }
0x61: {  	_ =	shalt  }
0x62: {  	_ =	shalt  }
0x63: {  	_ =	shalt  }
0x64: {  	_ =	shalt  }
0x65: {  	_ =	shalt  }
0x66: {  	_ =	shalt  }
0x67: {  	_ =	shalt  }
0x68: {  	_ =	shalt  }
0x69: {  	_ =	shalt  }
0x6a: {  	_ =	shalt  }
0x6b: {  	_ =	shalt  }
0x6c: {  	_ =	shalt  }
0x6d: {  	_ =	shalt  }
0x6e: {  	_ =	shalt  }
0x6f: {  	_ =	shalt  }
0x70: {  	_ =	shalt  }
0x71: {  	_ =	shalt  }
0x72: {  	_ =	shalt  }
0x73: {  	_ =	shalt  }
0x74: {  	_ =	shalt  }
0x75: {  	_ =	shalt  }
0x76: {  	_ =	shalt  }
0x77: {  	_ =	shalt  }
0x78: {  	_ =	shalt  }
0x79: {  	_ =	shalt  }
0x7a: {  	_ =	shalt  }
0x7b: {  	_ =	shalt  }
0x7c: {  	_ =	shalt  }
0x7d: {  	_ =	shalt  }
0x7e: {  	_ =	shalt  }
0x7f: {  	_ =	shalt  }
0x80: {  	_ =	shalt  }
0x81: {  	_ =	shalt  }
0x82: {  	_ =	shalt  }
0x83: {  	_ =	shalt  }
0x84: {  	_ =	shalt  }
0x85: {  	_ =	shalt  }
0x86: {  	_ =	shalt  }
0x87: {  	_ =	shalt  }
.Lfunc_end0:
.L_simem_size_0:
called_computation.1_lowered:
.L_overlay_start_0:
0x88: {  	s2 =	sld [smem:$0x3FD9]  }
0x89: {  	s3 =	sld [smem:$0x3FFE];
	_ =	sdelay $0x1  }
0x8a: {  	s1 =	srdreg.scid  }
0x8b: {  	s0 =	sand.u32 $0x1, s1  }
0x8c: {  	s16 =	sshll.u32 s0, $0xA;
	s2 =	sadd.s32 s3, s2  }
0x8d: {  	s2 =	sadd.s32 s2, s16  }
0x8e: {  	[smem:$0x3FBF] =	sst s2  }
0x8f: {  	_ = 	snop  }
0x90: {  	(tm) =	ssettm $0x1  }
0x91: {  	s17 =	sld [smem:$0x3FFB];
	_ =	sdelay $0x3  }
0x92: {  	_ =	strace s17  }
0x93: {  	s2 =	sld [smem:$0x3FFC];
	_ =	sdelay $0x3  }
0x94: {  	_ =	strace s2  }
0x95: {  	s2 =	sld [smem:$0x3FFD];
	_ =	sdelay $0x3  }
0x96: {  	_ =	strace s2  }
0x97: {  	_ =	strace $0x8FFFFFFF  }
0x98: {  	s18 =	sld [smem:$0x3FDB];
	_ =	sdelay $0x1  }
0x99: {  	s19 =	simm.s32 $_scs_section_size  }
0x9a: {  	s4 =	simm.s32 $_size__tile_overlayer_lowered;
	s5 =	simm.s32 $_tile_overlayer_lowered  }
0x9b: {  	s22 =	simm.s32 $0x1BFF;
	s21 =	sshll.u32 s5, $0x1;
	s2 =	sadd.s32 s19, s18  }
0x9c: {  	s6 =	simm.s32 $0x0;
	s20 =	sshll.u32 s4, $0x1;
	s4 =	sadd.s32 s21, s2  }
0x9d: {  	[timem:s6], [sflag:s22] =	dma.local [hbm:s4], s20  }
0x9e: {  	_ =	swait.ge [sflag:s22], s20  }
0x9f: {  	s3 =	ssub.s32 $0x0, s20;
	[sflag:s22] =	ssyncset.done $0x0  }
0xa0: {  	[sflag:s22] =	ssyncadd.s32 s3;
	_ =	sdelay $0x1  }
0xa1: {  	s23 =	simm.s32 $0x1B8B  }
0xa2: {  	_ =	swait.ge [sflag:s23], $0x1  }
0xa3: {  	[sflag:s23] =	ssyncset.done $0x0  }
0xa4: {  	s25 =	simm.s32 $0x1B8E;
	s24 =	sld [smem:$0x3FFE];
	[sflag:s23] =	ssyncadd.s32 $0xFFFFFFFF  }
0xa5: {  	s26 =	simm.s32 $execute0_lowered;
	[smem:$0x3FD2] =	sst s25  }
0xa6: {  	s4 =	sshll.u32 s26, $0x1;
	_ =	strace $0x80000049;
	[dreg:$0x1] =	wrdreg $0xFFFFFFFF  }
0xa7: {  	s28 =	simm.s32 $_size_execute0_lowered;
	s2 =	sadd.s32 s2, s4;
	[dreg:$0x0] =	wrdreg $0x0  }
0xa8: {  	s4 =	sshll.u32 s28, $0x1;
	[dreg:$0x2] =	wrdreg s2  }
0xa9: {  	[dreg:$0x3] =	wrdreg s4  }
0xaa: {  	[dreg:$0x4] =	wrdreg $0xC0  }
0xab: {  	_ =	task [dreg:s6], $0x5FFFF  }
0xac: {  	[dreg:$0x1] =	wrdreg $0xFFFFFFFF  }
0xad: {  	[dreg:$0x0] =	wrdreg $0x60  }
0xae: {  	[dreg:$0x2] =	wrdreg s24  }
0xaf: {  	[dreg:$0x3] =	wrdreg $0x41000  }
0xb0: {  	[dreg:$0x4] =	wrdreg $0x9  }
0xb1: {  	_ =	task.clear_ibuf [dreg:s6], $0x5FFFF;
	_ =	strace $0x90000049  }
0xb2: {  	s29 =	simm.s32 $0x9;
	_ =	strace $0x8000004B  }
0xb3: {  	_ =	swait.ge [sflag:s29], $0x1  }
0xb4: {  	[sflag:s29] =	ssyncadd.s32 $0xFFFFFFFF  }
0xb5: {  	_ =	strace $0x9000004B  }
0xb6: {  	_ =	sfence  }
0xb7: {  	s30 =	sld [smem:$0x0];
	_ =	sdelay $0x2  }
0xb8: {  	s31 =	sshll.u32 s1, $0xD;
	s1 =	sshrl.u32 s1, $0x2  }
0xb9: {  	s3 =	sand.u32 $0x4000, s31;
	s1 =	sadd.s32 s1, s30  }
0xba: {  	s0 =	sor.u32 s3, s0;
	s1 =	sshll.u32 s1, $0x11  }
0xbb: {  	s0 =	sor.u32 s1, s0  }
0xbc: {  	s0 =	sadd.s32 $0x8F2B, s0  }
0xbd: {  	[sflag:s0] =	ssyncadd.remote.s32 $0x1  }
0xbe: {  	_ =	sfence.sel $0xFFFF  }
0xbf: {  	[dreg:$0x0] =	wrdreg $0xFFFFFFFF;
	(pc) =	sbr.abs _section_cstart, $3  }
0xc0: {  	[dreg:$0x1] =	wrdreg $0xFFFFFFFF  }
0xc1: {  	_ =	task.clear_ibuf [dreg:s6], $0x2FFFF;
	_ =	strace $0x9FFFFFFF  }
0xc2: {  	(tm) =	ssettm $0x7FFFFFFF  }
0xc3: {  	_ =	shalt  }
tec
execute0_lowered:
.L_overlay_start_1:
0x0: {  	(tag) =	ssettag $0x1  }
0x1: {  	s5 =	rddreg [dreg:$0x0]  }
0x2: {  	s2 =	rddreg [dreg:$0x1]  }
0x3: {  	s0 =	rddreg [dreg:$0x2]  }
0x4: {  	s1 =	stileid.u32;
	s4 =	srdreg.scid  }
0x5: {  	s3 =	simm.s32 $0x0;
	s14 =	simm.s32 $0x100;
	s15 =	simm.s32 $0x1  }
0x6: {  	s6 =	smul.u32 $0x28000, s1;
	s16 =	sand.u32 $0x1, s4;
	[smem:$0x7FF] =	sst s3  }
0x7: {  	s10 =	sadd.s32 $0x2600, s5;
	s4 =	sadd.s32 $0x46E00, s5;
	s11 =	smul.u32 $0xE400, s1  }
0x8: {  	s29 =	sshll.u32 s1, $0x6;
	s7 =	smul.u32 $0x280000, s16;
	_ =	strace $0x8000004A  }
0x9: {  	s9 =	ssub.s32 $0x2, s16;
	s13 =	smul.u32 $0x7200, s16;
	p0 =	seq.s32 s16, $0x0  }
0xa: {  	s16 =	simm.s32 $0x0;
	s8 =	sshrl.u32 s6, $0x4;
	s12 =	sshrl.u32 s9, $0x1  }
0xb: {  	s8 =	sadd.s32 s8, s5;
	s7 =	sadd.s32 s6, s7;
	s6 =	sshrl.u32 s6, $0x1  }
0xc: {  	s9 =	ssub.s32 s9, s12;
	s11 =	sadd.s32 s13, s11;
	s12 =	simm.s32 $0x2  }
.Ltmp0:
0xd: {  	s7 =	sshrl.u32 s7, $0x4;
	s28 =	sadd.s32 s6, s2;
	(pc) =	sbr.rel .LBB2_1-.Ltmp0, $4  }
0xe: {  	s6 =	sor.u32 $0x1C02, s29;
	s13 =	sadd.s32 $0x2E00, s11;
	s30 =	sshrl.u32 s11, $0x3  }
0xf: {  	s7 =	sadd.s32 s7, s5;
	s5 =	sadd.s32 $0x97600, s8;
	s8 =	smax.u32 s9, $0x1  }
0x10: {  	s31 =	sshrl.u32 s13, $0x3;
	s9 =	sadd.s32 s30, s10;
	s11 =	sshrl.u32 s28, $0x3  }
0x11: {  	s13 =	simm.s32 $0x80;
	s7 =	sadd.s32 $0xBF600, s7;
	s10 =	sadd.s32 s31, s10  }
.LBB2_6:
0x12: {  	s17 =	sadd.s32 s17, s10;
	[sflag:s12] =	ssyncadd.s32 $0xFFFFC000  }
0x13: {  	[tilespmem:s3], [sflag:$0x2] =	stream.linear.gather [hbm4b:s17+s3], $0x100, $0x38;
	[tilespmem:$0x18100] =	vst v63  }
0x14: {  	_ =	swait.ge [sflag:s12], $0x100  }
0x15: {  	[sflag:s12] =	ssyncset.done $0x0  }
0x16: {  	[sflag:s12] =	ssyncadd.s32 $0xFFFFFF00  }
0x17: {  	[tilespmem:s14], [sflag:$0x1] =	stream.indirect.gather [hbm4b:s4+s13], $0x80, s3, s13, $0xb8;
	[tilespmem:$0x18100] =	vst v63  }
0x18: {  	_ =	swait.ge [sflag:s15], $0x4000  }
0x19: {  	[sflag:s15] =	ssyncset.done $0x0  }
0x1a: {  	[sflag:s15] =	ssyncadd.s32 $0xFFFFC000  }
0x1b: {  	[spmem:s2] =	stream.indirect.scatter.add.bf16 [tilespmem:s14], [sflag:$0x2], $0x80, s13, s13, $0xb8;
	[tilespmem:$0x18100] =	vst v63  }
0x1c: {  	_ =	swait.ge [sflag:s12], $0x4000  }
0x1d: {  	[sflag:s12] =	ssyncset.done $0x0  }
0x1e: {  	[sflag:s12] =	ssyncadd.s32 $0xFFFFC000  }
.LBB2_7:
0x1f: {  	s16 =	sadd.s32 $0x1, s16  }
0x20: {  	p1 =	sne.s32 s16, s8  }
.Ltmp1:
0x21: {  	[bflag:$0x0] =	sbarrier.arrive $0xFFFF;
	(pc) =	sbr.rel @!p1 .LBB2_8-.Ltmp1, $4  }
0x22: {  	[hbm:s7], [sflag:s6] =	dma.local [spmem:s11], $0x2800  }
0x23: {  	_ =	swait.ge [sflag:s12], $0x2800  }
0x24: {  	[sflag:s12] =	ssyncset.done $0x0  }
0x25: {  	[sflag:s12] =	ssyncadd.s32 $0xFFFFD800  }
.LBB2_1:
0x26: {  	[spmem:s11], [sflag:s6] =	dma.local [hbm:s5], $0x2800  }
0x27: {  	_ =	swait.ge [sflag:s12], $0x2800  }
0x28: {  	[sflag:s12] =	ssyncset.done $0x0  }
0x29: {  	[sflag:s12] =	ssyncadd.s32 $0xFFFFD800  }
0x2a: {  	s17 =	sadd.s32 $0x0, s9;
	[bflag:$0x0] =	sbarrier.arrive $0xFFFF  }
0x2b: {  	[tilespmem:s3], [sflag:$0x2] =	stream.linear.gather [hbm4b:s17+s3], $0x100, $0x38;
	[tilespmem:$0x18100] =	vst v63  }
0x2c: {  	_ =	swait.ge [sflag:s12], $0x100  }
0x2d: {  	[sflag:s12] =	ssyncset.done $0x0  }
0x2e: {  	[sflag:s12] =	ssyncadd.s32 $0xFFFFFF00  }
0x2f: {  	[tilespmem:s14], [sflag:$0x1] =	stream.indirect.gather [hbm4b:s4+s13], $0x80, s3, s13, $0xb8;
	[tilespmem:$0x18100] =	vst v63  }
0x30: {  	_ =	swait.ge [sflag:s15], $0x4000  }
0x31: {  	[sflag:s15] =	ssyncset.done $0x0  }
0x32: {  	[sflag:s15] =	ssyncadd.s32 $0xFFFFC000  }
0x33: {  	[spmem:s2] =	stream.indirect.scatter.add.bf16 [tilespmem:s14], [sflag:$0x2], $0x80, s13, s13, $0xb8;
	[tilespmem:$0x18100] =	vst v63  }
0x34: {  	_ =	swait.ge [sflag:s12], $0x4000  }
0x35: {  	s18 =	simm.s32 $0x40;
	s17 =	simm.s32 $0x20;
	[sflag:s12] =	ssyncset.done $0x0  }
.LBB2_2:
0x36: {  	s19 =	sadd.s32 s17, s9  }
0x37: {  	[sflag:s12] =	ssyncadd.s32 $0xFFFFC000;
	s17 =	smov.u32 s18;
	s20 =	sadd.s32 $0x20, s18  }
0x38: {  	[tilespmem:s3], [sflag:$0x2] =	stream.linear.gather [hbm4b:s19+s3], $0x100, $0x38;
	[tilespmem:$0x18100] =	vst v63  }
0x39: {  	p1 =	sne.s32 s18, $0x5A0;
	_ =	swait.ge [sflag:s12], $0x100  }
0x3a: {  	[sflag:s12] =	ssyncset.done $0x0  }
0x3b: {  	[sflag:s12] =	ssyncadd.s32 $0xFFFFFF00  }
0x3c: {  	[tilespmem:s14], [sflag:$0x1] =	stream.indirect.gather [hbm4b:s4+s13], $0x80, s3, s13, $0xb8;
	[tilespmem:$0x18100] =	vst v63  }
0x3d: {  	_ =	swait.ge [sflag:s15], $0x4000  }
.Ltmp2:
0x3e: {  	[sflag:s15] =	ssyncset.done $0x0;
	(pc) =	sbr.rel @p1 .LBB2_2-.Ltmp2, $4  }
0x3f: {  	[sflag:s15] =	ssyncadd.s32 $0xFFFFC000  }
0x40: {  	[spmem:s2] =	stream.indirect.scatter.add.bf16 [tilespmem:s14], [sflag:$0x2], $0x80, s13, s13, $0xb8;
	[tilespmem:$0x18100] =	vst v63  }
0x41: {  	_ =	swait.ge [sflag:s12], $0x4000  }
0x42: {  	s18 =	smov.u32 s20;
	[sflag:s12] =	ssyncset.done $0x0  }
0x43: {  	s17 =	sadd.s32 s17, s9;
	[sflag:s12] =	ssyncadd.s32 $0xFFFFC000  }
0x44: {  	[tilespmem:s3], [sflag:$0x2] =	stream.linear.gather [hbm4b:s17+s3], $0x100, $0x38;
	[tilespmem:$0x18100] =	vst v63  }
0x45: {  	_ =	swait.ge [sflag:s12], $0x100  }
0x46: {  	[sflag:s12] =	ssyncset.done $0x0  }
0x47: {  	[sflag:s12] =	ssyncadd.s32 $0xFFFFFF00  }
0x48: {  	[tilespmem:s14], [sflag:$0x1] =	stream.indirect.gather [hbm4b:s4+s13], $0x80, s3, s13, $0xb8;
	[tilespmem:$0x18100] =	vst v63  }
0x49: {  	_ =	swait.ge [sflag:s15], $0x4000  }
0x4a: {  	[sflag:s15] =	ssyncset.done $0x0  }
.Ltmp3:
0x4b: {  	[sflag:s15] =	ssyncadd.s32 $0xFFFFC000;
	(pc) =	sbr.rel @p0 .LBB2_7-.Ltmp3, $4  }
0x4c: {  	[spmem:s2] =	stream.indirect.scatter.add.bf16 [tilespmem:s14], [sflag:$0x2], $0x80, s13, s13, $0xb8;
	[tilespmem:$0x18100] =	vst v63  }
0x4d: {  	_ =	swait.ge [sflag:s12], $0x4000  }
0x4e: {  	[sflag:s12] =	ssyncset.done $0x0  }
0x4f: {  	[sflag:s12] =	ssyncadd.s32 $0xFFFFC000  }
0x50: {  	s17 =	sadd.s32 $0x0, s10  }
0x51: {  	[tilespmem:s3], [sflag:$0x2] =	stream.linear.gather [hbm4b:s17+s3], $0x100, $0x38;
	[tilespmem:$0x18100] =	vst v63  }
0x52: {  	_ =	swait.ge [sflag:s12], $0x100  }
0x53: {  	[sflag:s12] =	ssyncset.done $0x0  }
0x54: {  	[sflag:s12] =	ssyncadd.s32 $0xFFFFFF00  }
0x55: {  	[tilespmem:s14], [sflag:$0x1] =	stream.indirect.gather [hbm4b:s4+s13], $0x80, s3, s13, $0xb8;
	[tilespmem:$0x18100] =	vst v63  }
0x56: {  	_ =	swait.ge [sflag:s15], $0x4000  }
0x57: {  	[sflag:s15] =	ssyncset.done $0x0  }
0x58: {  	[sflag:s15] =	ssyncadd.s32 $0xFFFFC000  }
0x59: {  	[spmem:s2] =	stream.indirect.scatter.add.bf16 [tilespmem:s14], [sflag:$0x2], $0x80, s13, s13, $0xb8;
	[tilespmem:$0x18100] =	vst v63  }
0x5a: {  	_ =	swait.ge [sflag:s12], $0x4000  }
0x5b: {  	s18 =	simm.s32 $0x40;
	s17 =	simm.s32 $0x20;
	[sflag:s12] =	ssyncset.done $0x0  }
.LBB2_5:
0x5c: {  	s19 =	sadd.s32 s17, s10  }
0x5d: {  	[sflag:s12] =	ssyncadd.s32 $0xFFFFC000;
	s17 =	smov.u32 s18;
	s20 =	sadd.s32 $0x20, s18  }
0x5e: {  	[tilespmem:s3], [sflag:$0x2] =	stream.linear.gather [hbm4b:s19+s3], $0x100, $0x38;
	[tilespmem:$0x18100] =	vst v63  }
0x5f: {  	p1 =	sne.s32 s18, $0x860;
	_ =	swait.ge [sflag:s12], $0x100  }
0x60: {  	[sflag:s12] =	ssyncset.done $0x0  }
0x61: {  	[sflag:s12] =	ssyncadd.s32 $0xFFFFFF00  }
0x62: {  	[tilespmem:s14], [sflag:$0x1] =	stream.indirect.gather [hbm4b:s4+s13], $0x80, s3, s13, $0xb8;
	[tilespmem:$0x18100] =	vst v63  }
0x63: {  	_ =	swait.ge [sflag:s15], $0x4000  }
.Ltmp4:
0x64: {  	[sflag:s15] =	ssyncset.done $0x0;
	(pc) =	sbr.rel @p1 .LBB2_5-.Ltmp4, $4  }
0x65: {  	[sflag:s15] =	ssyncadd.s32 $0xFFFFC000  }
0x66: {  	[spmem:s2] =	stream.indirect.scatter.add.bf16 [tilespmem:s14], [sflag:$0x2], $0x80, s13, s13, $0xb8;
	[tilespmem:$0x18100] =	vst v63  }
0x67: {  	_ =	swait.ge [sflag:s12], $0x4000  }
0x68: {  	s18 =	smov.u32 s20;
	[sflag:s12] =	ssyncset.done $0x0  }
.Ltmp5:
0x69: {  	_ = 	snop;
	(pc) =	sbr.rel .LBB2_6-.Ltmp5, $1  }
0x6a: {  	_ =	sdelay $0x3  }
.LBB2_8:
0x6b: {  	_ =	sfence.sel $0x180000  }
0x6c: {  	[bflag:$0x0] =	sbarrier.arrive $0xFFFF  }
0x6d: {  	p0 =	sne.s32 s1, $0x0;
	_ =	strace $0x9000004A  }
0x6e: {  	s0 =	sadd.s32 @!p0 $0x100000, s0;
	[bflag:$0x2] =	sbarrier.arrive $0xFFFF  }
0x6f: {  	[sflag:s0] =	ssyncadd.tile.s32 @!p0 $0x1;
	_ =	shalt  }
.Lfunc_end2:
_tile_overlayer_lowered:
.L_overlay_start_2:
0x70: {  	(tag) =	ssettag $0x2  }
0x71: {  	s0 =	rddreg [dreg:$0x0];
	s2 =	stileid.u32  }
0x72: {  	s1 =	rddreg [dreg:$0x1];
	p0 =	sne.s32 s2, $0x0  }
0x73: {  	s3 =	rddreg [dreg:$0x2];
	[bflag:$0x3] =	sbarrier.arrive $0xFFFF;
	s2 =	simm.s32 @!p0 $0x1C02  }
0x74: {  	[timem:s3], [sflag:s2] =	dma.local @!p0 [hbm:s0], s1  }
0x75: {  	s0 =	simm.s32 @!p0 $0x2  }
0x76: {  	_ =	swait.ge @!p0 [sflag:s0], s1  }
0x77: {  	s1 =	ssub.s32 @!p0 $0x0, s1;
	[sflag:s0] =	ssyncset.done @!p0 $0x0  }
0x78: {  	[sflag:s0] =	ssyncadd.s32 @!p0 s1  }
0x79: {  	[bflag:$0x3] =	sbarrier.arrive $0xFFFF  }
0x7a: {  	_ =	shalt  }

// kernel: kernel.16.cloned.1.call-start
scs
__scs_entry_jumppad:
0x0: {  	(pc) =	sbr.rel $0x88, $3  }
0x1: {  	(tag) =	ssettag $0x0;
	lr =	simm.s32 $0x1  }
0x2: {  	[smem:$0x3F98] =	sst lr;
	_ =	strace $0xD0000000  }
0x3: {  	_ = 	snop  }
0x4: {  	_ = 	snop  }
0x5: {  	_ = 	snop  }
0x6: {  	_ = 	snop  }
0x7: {  	_ = 	snop  }
__scs_overlays_trampoline_lowered:
0x8: {  	[smem:$0x3FA7] =	sst s0  }
0x9: {  	[smem:$0x3FA8] =	sst s1  }
0xa: {  	[smem:$0x3FA9] =	sst s2  }
0xb: {  	[smem:$0x3FAA] =	sst s3  }
0xc: {  	[smem:$0x3FAB] =	sst s4  }
0xd: {  	[smem:$0x3FAC] =	sst s5  }
0xe: {  	[smem:$0x3FAD] =	sst s6  }
0xf: {  	[smem:$0x3FAE] =	sst s7  }
0x10: {  	[smem:$0x3FAF] =	sst s8  }
0x11: {  	[smem:$0x3FB0] =	sst s9;
	s0 =	simm.s32 @!p0 $0x0  }
0x12: {  	s1 =	sld [smem:$0x3F96];
	s0 =	simm.s32 @p0 $0x1  }
0x13: {  	[smem:$0x3FB1] =	sst s0;
	s0 =	simm.s32 @!p1 $0x0  }
0x14: {  	s2 =	sld [smem:$0x3F95];
	s0 =	simm.s32 @p1 $0x1  }
0x15: {  	[smem:$0x3FB2] =	sst s0;
	s0 =	simm.s32 @!p2 $0x0  }
0x16: {  	s3 =	sld [smem:$0x3FDB];
	s0 =	simm.s32 @p2 $0x1  }
0x17: {  	s4 =	simm.s32 $0x1BF5;
	[smem:$0x3FB4] =	sst s0  }
0x18: {  	s0 =	sld [smem:$0x3F97];
	_ =	swait.ge [sflag:s4], $0x0  }
0x19: {  	s7 =	sld [smem:$0x3F98]  }
0x1a: {  	s8 =	sadd.s32 $0xFFFFE003, lr  }
0x1b: {  	s9 =	sadd.s32 $0xFFFFFEF7, lr;
	s5 =	simm.s32 $0xFFFFFFFF;
	p2 =	slt.u32 s8, $0xFFFFF086  }
0x1c: {  	p1 =	slt.u32 s9, $0xF7A;
	s5 =	simm.s32 @!p2 $0x0  }
0x1d: {  	s5 =	simm.s32 @p1 $0x1;
	p0 =	seq.s32 s7, s2  }
0x1e: {  	s7 =	smul.u32 @!p0 $0xF7A, s2;
	p2 =	seq.s32 @!p0 s5, $0x0  }
0x1f: {  	s9 =	smul.u32 $0xF7A, s1;
	s8 =	simm.s32 @!p0 $0x1BF5;
	p2 =	por !p2, p0  }
0x20: {  	[sflag:s8] =	ssyncset.s32 @!p0 $0xFFFFF086;
	s6 =	sadd.s32 @!p0 s3, s7;
	s7 =	simm.s32 @!p0 $0x108  }
0x21: {  	s3 =	sadd.s32 s3, s9;
	s6 =	sadd.s32 @!p0 $0x88, s6;
	s7 =	simm.s32 @p2 $0x1082  }
0x22: {  	[simem:s7], [sflag:s8] =	dma.local @!p0 [hbm:s6], $0xF7A  }
0x23: {  	s9 =	sor.u32 $0xD0000000, s2;
	s6 =	simm.s32 $0x108;
	_ =	swait.ge @!p0 [sflag:s8], $0x0  }
0x24: {  	s3 =	sadd.s32 $0x88, s3;
	s6 =	simm.s32 @!p1 $0x1082;
	[sflag:s4] =	ssyncset.s32 $0xFFFFF086  }
0x25: {  	[simem:s6], [sflag:s4] =	dma.local [hbm:s3], $0xF7A  }
0x26: {  	[smem:$0x3F98] =	sst s1;
	(tag) =	ssettag s2;
	_ =	strace s9  }
0x27: {  	s1 =	sld [smem:$0x3FA8]  }
0x28: {  	s2 =	sld [smem:$0x3FA9]  }
0x29: {  	s4 =	sld [smem:$0x3FAB]  }
0x2a: {  	p0 =	seq.s32 s5, $0x0;
	s5 =	sld [smem:$0x3FAC]  }
0x2b: {  	s6 =	sld [smem:$0x3FAD]  }
0x2c: {  	s7 =	sld [smem:$0x3FAE]  }
0x2d: {  	s3 =	simm.s32 $0x108;
	s8 =	sld [smem:$0x3FAF]  }
0x2e: {  	s3 =	simm.s32 @!p0 $0x1082;
	s9 =	sld [smem:$0x3FB0]  }
0x2f: {  	lr =	sadd.s32 s0, s3;
	s0 =	sld [smem:$0x3FA7]  }
0x30: {  	s3 =	sld [smem:$0x3FAA]  }
0x31: {  	[smem:$0x3FB3] =	sst s10  }
0x32: {  	s10 =	sld [smem:$0x3FB1];
	_ =	sdelay $0x3  }
0x33: {  	p0 =	seq.s32 s10, $0x1;
	s10 =	sld [smem:$0x3FB3];
	_ =	sdelay $0x3  }
0x34: {  	[smem:$0x3FB3] =	sst s10  }
0x35: {  	s10 =	sld [smem:$0x3FB2];
	_ =	sdelay $0x3  }
0x36: {  	p1 =	seq.s32 s10, $0x1;
	s10 =	sld [smem:$0x3FB3];
	_ =	sdelay $0x3  }
0x37: {  	[smem:$0x3FB3] =	sst s10  }
0x38: {  	s10 =	sld [smem:$0x3FB4]  }
0x39: {  	_ = 	snop;
	(pc) =	sbr.ind lr, $3  }
0x3a: {  	_ = 	snop  }
0x3b: {  	_ = 	snop  }
0x3c: {  	p2 =	seq.s32 s10, $0x1;
	s10 =	sld [smem:$0x3FB3]  }
0x3d: {  	_ =	shalt  }
0x3e: {  	_ =	shalt  }
0x3f: {  	_ =	shalt  }
0x40: {  	_ =	shalt  }
0x41: {  	_ =	shalt  }
0x42: {  	_ =	shalt  }
0x43: {  	_ =	shalt  }
0x44: {  	_ =	shalt  }
0x45: {  	_ =	shalt  }
0x46: {  	_ =	shalt  }
0x47: {  	_ =	shalt  }
0x48: {  	_ =	shalt  }
0x49: {  	_ =	shalt  }
0x4a: {  	_ =	shalt  }
0x4b: {  	_ =	shalt  }
0x4c: {  	_ =	shalt  }
0x4d: {  	_ =	shalt  }
0x4e: {  	_ =	shalt  }
0x4f: {  	_ =	shalt  }
0x50: {  	_ =	shalt  }
0x51: {  	_ =	shalt  }
0x52: {  	_ =	shalt  }
0x53: {  	_ =	shalt  }
0x54: {  	_ =	shalt  }
0x55: {  	_ =	shalt  }
0x56: {  	_ =	shalt  }
0x57: {  	_ =	shalt  }
0x58: {  	_ =	shalt  }
0x59: {  	_ =	shalt  }
0x5a: {  	_ =	shalt  }
0x5b: {  	_ =	shalt  }
0x5c: {  	_ =	shalt  }
0x5d: {  	_ =	shalt  }
0x5e: {  	_ =	shalt  }
0x5f: {  	_ =	shalt  }
0x60: {  	_ =	shalt  }
0x61: {  	_ =	shalt  }
0x62: {  	_ =	shalt  }
0x63: {  	_ =	shalt  }
0x64: {  	_ =	shalt  }
0x65: {  	_ =	shalt  }
0x66: {  	_ =	shalt  }
0x67: {  	_ =	shalt  }
0x68: {  	_ =	shalt  }
0x69: {  	_ =	shalt  }
0x6a: {  	_ =	shalt  }
0x6b: {  	_ =	shalt  }
0x6c: {  	_ =	shalt  }
0x6d: {  	_ =	shalt  }
0x6e: {  	_ =	shalt  }
0x6f: {  	_ =	shalt  }
0x70: {  	_ =	shalt  }
0x71: {  	_ =	shalt  }
0x72: {  	_ =	shalt  }
0x73: {  	_ =	shalt  }
0x74: {  	_ =	shalt  }
0x75: {  	_ =	shalt  }
0x76: {  	_ =	shalt  }
0x77: {  	_ =	shalt  }
0x78: {  	_ =	shalt  }
0x79: {  	_ =	shalt  }
0x7a: {  	_ =	shalt  }
0x7b: {  	_ =	shalt  }
0x7c: {  	_ =	shalt  }
0x7d: {  	_ =	shalt  }
0x7e: {  	_ =	shalt  }
0x7f: {  	_ =	shalt  }
0x80: {  	_ =	shalt  }
0x81: {  	_ =	shalt  }
0x82: {  	_ =	shalt  }
0x83: {  	_ =	shalt  }
0x84: {  	_ =	shalt  }
0x85: {  	_ =	shalt  }
0x86: {  	_ =	shalt  }
0x87: {  	_ =	shalt  }
.Lfunc_end0:
.L_simem_size_0:
called_computation.2_lowered:
.L_overlay_start_0:
0x88: {  	s2 =	sld [smem:$0x3FD9]  }
0x89: {  	s3 =	sld [smem:$0x3FFE];
	_ =	sdelay $0x1  }
0x8a: {  	s1 =	srdreg.scid  }
0x8b: {  	s0 =	sand.u32 $0x1, s1  }
0x8c: {  	s16 =	sshll.u32 s0, $0xA;
	s2 =	sadd.s32 s3, s2  }
0x8d: {  	s2 =	sadd.s32 s2, s16  }
0x8e: {  	[smem:$0x3FBF] =	sst s2  }
0x8f: {  	_ = 	snop  }
0x90: {  	(tm) =	ssettm $0x1  }
0x91: {  	s17 =	sld [smem:$0x3FFB];
	_ =	sdelay $0x3  }
0x92: {  	_ =	strace s17  }
0x93: {  	s2 =	sld [smem:$0x3FFC];
	_ =	sdelay $0x3  }
0x94: {  	_ =	strace s2  }
0x95: {  	s2 =	sld [smem:$0x3FFD];
	_ =	sdelay $0x3  }
0x96: {  	_ =	strace s2  }
0x97: {  	_ =	strace $0x8FFFFFFF  }
0x98: {  	s18 =	sld [smem:$0x3FDB];
	_ =	sdelay $0x1  }
0x99: {  	s19 =	simm.s32 $_scs_section_size  }
0x9a: {  	s4 =	simm.s32 $_size__tile_overlayer_lowered;
	s5 =	simm.s32 $_tile_overlayer_lowered  }
0x9b: {  	s22 =	simm.s32 $0x1BFF;
	s21 =	sshll.u32 s5, $0x1;
	s2 =	sadd.s32 s19, s18  }
0x9c: {  	s6 =	simm.s32 $0x0;
	s20 =	sshll.u32 s4, $0x1;
	s4 =	sadd.s32 s21, s2  }
0x9d: {  	[timem:s6], [sflag:s22] =	dma.local [hbm:s4], s20  }
0x9e: {  	_ =	swait.ge [sflag:s22], s20  }
0x9f: {  	s3 =	ssub.s32 $0x0, s20;
	[sflag:s22] =	ssyncset.done $0x0  }
0xa0: {  	[sflag:s22] =	ssyncadd.s32 s3;
	_ =	sdelay $0x1  }
0xa1: {  	s23 =	simm.s32 $0x1B8B  }
0xa2: {  	_ =	swait.ge [sflag:s23], $0x1  }
0xa3: {  	[sflag:s23] =	ssyncset.done $0x0  }
0xa4: {  	s25 =	simm.s32 $0x1B8E;
	s24 =	sld [smem:$0x3FFE];
	[sflag:s23] =	ssyncadd.s32 $0xFFFFFFFF  }
0xa5: {  	s26 =	simm.s32 $execute0_lowered;
	[smem:$0x3FD2] =	sst s25  }
0xa6: {  	s4 =	sshll.u32 s26, $0x1;
	_ =	strace $0x8000004C;
	[dreg:$0x1] =	wrdreg $0xFFFFFFFF  }
0xa7: {  	s28 =	simm.s32 $_size_execute0_lowered;
	s2 =	sadd.s32 s2, s4;
	[dreg:$0x0] =	wrdreg $0x0  }
0xa8: {  	s4 =	sshll.u32 s28, $0x1;
	[dreg:$0x2] =	wrdreg s2  }
0xa9: {  	[dreg:$0x3] =	wrdreg s4  }
0xaa: {  	[dreg:$0x4] =	wrdreg $0xC0  }
0xab: {  	_ =	task [dreg:s6], $0x5FFFF  }
0xac: {  	[dreg:$0x1] =	wrdreg $0xFFFFFFFF  }
0xad: {  	[dreg:$0x0] =	wrdreg $0x60  }
0xae: {  	[dreg:$0x2] =	wrdreg s24  }
0xaf: {  	[dreg:$0x3] =	wrdreg $0x41000  }
0xb0: {  	[dreg:$0x4] =	wrdreg $0x9  }
0xb1: {  	_ =	task.clear_ibuf [dreg:s6], $0x5FFFF;
	_ =	strace $0x9000004C  }
0xb2: {  	s29 =	simm.s32 $0x9;
	_ =	strace $0x8000004E  }
0xb3: {  	_ =	swait.ge [sflag:s29], $0x1  }
0xb4: {  	[sflag:s29] =	ssyncadd.s32 $0xFFFFFFFF  }
0xb5: {  	_ =	strace $0x9000004E  }
0xb6: {  	_ =	sfence  }
0xb7: {  	s30 =	sld [smem:$0x0];
	_ =	sdelay $0x2  }
0xb8: {  	s31 =	sshll.u32 s1, $0xD;
	s1 =	sshrl.u32 s1, $0x2  }
0xb9: {  	s3 =	sand.u32 $0x4000, s31;
	s1 =	sadd.s32 s1, s30  }
0xba: {  	s0 =	sor.u32 s3, s0;
	s1 =	sshll.u32 s1, $0x11  }
0xbb: {  	s0 =	sor.u32 s1, s0  }
0xbc: {  	s0 =	sadd.s32 $0x8F2B, s0  }
0xbd: {  	[sflag:s0] =	ssyncadd.remote.s32 $0x1  }
0xbe: {  	_ =	sfence.sel $0xFFFF  }
0xbf: {  	[dreg:$0x0] =	wrdreg $0xFFFFFFFF;
	(pc) =	sbr.abs _section_cstart, $3  }
0xc0: {  	[dreg:$0x1] =	wrdreg $0xFFFFFFFF  }
0xc1: {  	_ =	task.clear_ibuf [dreg:s6], $0x2FFFF;
	_ =	strace $0x9FFFFFFF  }
0xc2: {  	(tm) =	ssettm $0x7FFFFFFF  }
0xc3: {  	_ =	shalt  }
tec
execute0_lowered:
.L_overlay_start_1:
0x0: {  	(tag) =	ssettag $0x1  }
0x1: {  	s5 =	rddreg [dreg:$0x0]  }
0x2: {  	s2 =	rddreg [dreg:$0x1]  }
0x3: {  	s0 =	rddreg [dreg:$0x2]  }
0x4: {  	s1 =	stileid.u32;
	s4 =	srdreg.scid  }
0x5: {  	s3 =	simm.s32 $0x0;
	s14 =	simm.s32 $0x100;
	s15 =	simm.s32 $0x1  }
0x6: {  	s6 =	smul.u32 $0x28000, s1;
	s16 =	sand.u32 $0x1, s4;
	[smem:$0x7FF] =	sst s3  }
0x7: {  	s10 =	sadd.s32 $0x2600, s5;
	s4 =	sadd.s32 $0x46E00, s5;
	s11 =	smul.u32 $0xE400, s1  }
0x8: {  	s29 =	sshll.u32 s1, $0x6;
	s7 =	smul.u32 $0x280000, s16;
	_ =	strace $0x8000004D  }
0x9: {  	s9 =	ssub.s32 $0x2, s16;
	s13 =	smul.u32 $0x7200, s16;
	p0 =	seq.s32 s16, $0x0  }
0xa: {  	s16 =	simm.s32 $0x0;
	s8 =	sshrl.u32 s6, $0x4;
	s12 =	sshrl.u32 s9, $0x1  }
0xb: {  	s8 =	sadd.s32 s8, s5;
	s7 =	sadd.s32 s6, s7;
	s6 =	sshrl.u32 s6, $0x1  }
0xc: {  	s9 =	ssub.s32 s9, s12;
	s11 =	sadd.s32 s13, s11;
	s12 =	simm.s32 $0x2  }
.Ltmp0:
0xd: {  	s7 =	sshrl.u32 s7, $0x4;
	s28 =	sadd.s32 s6, s2;
	(pc) =	sbr.rel .LBB2_1-.Ltmp0, $4  }
0xe: {  	s6 =	sor.u32 $0x1C02, s29;
	s13 =	sadd.s32 $0x2E00, s11;
	s30 =	sshrl.u32 s11, $0x3  }
0xf: {  	s7 =	sadd.s32 s7, s5;
	s5 =	sadd.s32 $0x97600, s8;
	s8 =	smax.u32 s9, $0x1  }
0x10: {  	s31 =	sshrl.u32 s13, $0x3;
	s9 =	sadd.s32 s30, s10;
	s11 =	sshrl.u32 s28, $0x3  }
0x11: {  	s13 =	simm.s32 $0x80;
	s7 =	sadd.s32 $0xBF600, s7;
	s10 =	sadd.s32 s31, s10  }
.LBB2_6:
0x12: {  	s17 =	sadd.s32 s17, s10;
	[sflag:s12] =	ssyncadd.s32 $0xFFFFC000  }
0x13: {  	[tilespmem:s3], [sflag:$0x2] =	stream.linear.gather [hbm4b:s17+s3], $0x100, $0x38;
	[tilespmem:$0x18100] =	vst v63  }
0x14: {  	_ =	swait.ge [sflag:s12], $0x100  }
0x15: {  	[sflag:s12] =	ssyncset.done $0x0  }
0x16: {  	[sflag:s12] =	ssyncadd.s32 $0xFFFFFF00  }
0x17: {  	[tilespmem:s14], [sflag:$0x1] =	stream.indirect.gather [hbm4b:s4+s13], $0x80, s3, s13, $0xb8;
	[tilespmem:$0x18100] =	vst v63  }
0x18: {  	_ =	swait.ge [sflag:s15], $0x4000  }
0x19: {  	[sflag:s15] =	ssyncset.done $0x0  }
0x1a: {  	[sflag:s15] =	ssyncadd.s32 $0xFFFFC000  }
0x1b: {  	[spmem:s2] =	stream.indirect.scatter.add.bf16 [tilespmem:s14], [sflag:$0x2], $0x80, s13, s13, $0xb8;
	[tilespmem:$0x18100] =	vst v63  }
0x1c: {  	_ =	swait.ge [sflag:s12], $0x4000  }
0x1d: {  	[sflag:s12] =	ssyncset.done $0x0  }
0x1e: {  	[sflag:s12] =	ssyncadd.s32 $0xFFFFC000  }
.LBB2_7:
0x1f: {  	s16 =	sadd.s32 $0x1, s16  }
0x20: {  	p1 =	sne.s32 s16, s8  }
.Ltmp1:
0x21: {  	[bflag:$0x0] =	sbarrier.arrive $0xFFFF;
	(pc) =	sbr.rel @!p1 .LBB2_8-.Ltmp1, $4  }
0x22: {  	[hbm:s7], [sflag:s6] =	dma.local [spmem:s11], $0x2800  }
0x23: {  	_ =	swait.ge [sflag:s12], $0x2800  }
0x24: {  	[sflag:s12] =	ssyncset.done $0x0  }
0x25: {  	[sflag:s12] =	ssyncadd.s32 $0xFFFFD800  }
.LBB2_1:
0x26: {  	[spmem:s11], [sflag:s6] =	dma.local [hbm:s5], $0x2800  }
0x27: {  	_ =	swait.ge [sflag:s12], $0x2800  }
0x28: {  	[sflag:s12] =	ssyncset.done $0x0  }
0x29: {  	[sflag:s12] =	ssyncadd.s32 $0xFFFFD800  }
0x2a: {  	s17 =	sadd.s32 $0x0, s9;
	[bflag:$0x0] =	sbarrier.arrive $0xFFFF  }
0x2b: {  	[tilespmem:s3], [sflag:$0x2] =	stream.linear.gather [hbm4b:s17+s3], $0x100, $0x38;
	[tilespmem:$0x18100] =	vst v63  }
0x2c: {  	_ =	swait.ge [sflag:s12], $0x100  }
0x2d: {  	[sflag:s12] =	ssyncset.done $0x0  }
0x2e: {  	[sflag:s12] =	ssyncadd.s32 $0xFFFFFF00  }
0x2f: {  	[tilespmem:s14], [sflag:$0x1] =	stream.indirect.gather [hbm4b:s4+s13], $0x80, s3, s13, $0xb8;
	[tilespmem:$0x18100] =	vst v63  }
0x30: {  	_ =	swait.ge [sflag:s15], $0x4000  }
0x31: {  	[sflag:s15] =	ssyncset.done $0x0  }
0x32: {  	[sflag:s15] =	ssyncadd.s32 $0xFFFFC000  }
0x33: {  	[spmem:s2] =	stream.indirect.scatter.add.bf16 [tilespmem:s14], [sflag:$0x2], $0x80, s13, s13, $0xb8;
	[tilespmem:$0x18100] =	vst v63  }
0x34: {  	_ =	swait.ge [sflag:s12], $0x4000  }
0x35: {  	s18 =	simm.s32 $0x40;
	s17 =	simm.s32 $0x20;
	[sflag:s12] =	ssyncset.done $0x0  }
.LBB2_2:
0x36: {  	s19 =	sadd.s32 s17, s9  }
0x37: {  	[sflag:s12] =	ssyncadd.s32 $0xFFFFC000;
	s17 =	smov.u32 s18;
	s20 =	sadd.s32 $0x20, s18  }
0x38: {  	[tilespmem:s3], [sflag:$0x2] =	stream.linear.gather [hbm4b:s19+s3], $0x100, $0x38;
	[tilespmem:$0x18100] =	vst v63  }
0x39: {  	p1 =	sne.s32 s18, $0x5A0;
	_ =	swait.ge [sflag:s12], $0x100  }
0x3a: {  	[sflag:s12] =	ssyncset.done $0x0  }
0x3b: {  	[sflag:s12] =	ssyncadd.s32 $0xFFFFFF00  }
0x3c: {  	[tilespmem:s14], [sflag:$0x1] =	stream.indirect.gather [hbm4b:s4+s13], $0x80, s3, s13, $0xb8;
	[tilespmem:$0x18100] =	vst v63  }
0x3d: {  	_ =	swait.ge [sflag:s15], $0x4000  }
.Ltmp2:
0x3e: {  	[sflag:s15] =	ssyncset.done $0x0;
	(pc) =	sbr.rel @p1 .LBB2_2-.Ltmp2, $4  }
0x3f: {  	[sflag:s15] =	ssyncadd.s32 $0xFFFFC000  }
0x40: {  	[spmem:s2] =	stream.indirect.scatter.add.bf16 [tilespmem:s14], [sflag:$0x2], $0x80, s13, s13, $0xb8;
	[tilespmem:$0x18100] =	vst v63  }
0x41: {  	_ =	swait.ge [sflag:s12], $0x4000  }
0x42: {  	s18 =	smov.u32 s20;
	[sflag:s12] =	ssyncset.done $0x0  }
0x43: {  	s17 =	sadd.s32 s17, s9;
	[sflag:s12] =	ssyncadd.s32 $0xFFFFC000  }
0x44: {  	[tilespmem:s3], [sflag:$0x2] =	stream.linear.gather [hbm4b:s17+s3], $0x100, $0x38;
	[tilespmem:$0x18100] =	vst v63  }
0x45: {  	_ =	swait.ge [sflag:s12], $0x100  }
0x46: {  	[sflag:s12] =	ssyncset.done $0x0  }
0x47: {  	[sflag:s12] =	ssyncadd.s32 $0xFFFFFF00  }
0x48: {  	[tilespmem:s14], [sflag:$0x1] =	stream.indirect.gather [hbm4b:s4+s13], $0x80, s3, s13, $0xb8;
	[tilespmem:$0x18100] =	vst v63  }
0x49: {  	_ =	swait.ge [sflag:s15], $0x4000  }
0x4a: {  	[sflag:s15] =	ssyncset.done $0x0  }
.Ltmp3:
0x4b: {  	[sflag:s15] =	ssyncadd.s32 $0xFFFFC000;
	(pc) =	sbr.rel @p0 .LBB2_7-.Ltmp3, $4  }
0x4c: {  	[spmem:s2] =	stream.indirect.scatter.add.bf16 [tilespmem:s14], [sflag:$0x2], $0x80, s13, s13, $0xb8;
	[tilespmem:$0x18100] =	vst v63  }
0x4d: {  	_ =	swait.ge [sflag:s12], $0x4000  }
0x4e: {  	[sflag:s12] =	ssyncset.done $0x0  }
0x4f: {  	[sflag:s12] =	ssyncadd.s32 $0xFFFFC000  }
0x50: {  	s17 =	sadd.s32 $0x0, s10  }
0x51: {  	[tilespmem:s3], [sflag:$0x2] =	stream.linear.gather [hbm4b:s17+s3], $0x100, $0x38;
	[tilespmem:$0x18100] =	vst v63  }
0x52: {  	_ =	swait.ge [sflag:s12], $0x100  }
0x53: {  	[sflag:s12] =	ssyncset.done $0x0  }
0x54: {  	[sflag:s12] =	ssyncadd.s32 $0xFFFFFF00  }
0x55: {  	[tilespmem:s14], [sflag:$0x1] =	stream.indirect.gather [hbm4b:s4+s13], $0x80, s3, s13, $0xb8;
	[tilespmem:$0x18100] =	vst v63  }
0x56: {  	_ =	swait.ge [sflag:s15], $0x4000  }
0x57: {  	[sflag:s15] =	ssyncset.done $0x0  }
0x58: {  	[sflag:s15] =	ssyncadd.s32 $0xFFFFC000  }
0x59: {  	[spmem:s2] =	stream.indirect.scatter.add.bf16 [tilespmem:s14], [sflag:$0x2], $0x80, s13, s13, $0xb8;
	[tilespmem:$0x18100] =	vst v63  }
0x5a: {  	_ =	swait.ge [sflag:s12], $0x4000  }
0x5b: {  	s18 =	simm.s32 $0x40;
	s17 =	simm.s32 $0x20;
	[sflag:s12] =	ssyncset.done $0x0  }
.LBB2_5:
0x5c: {  	s19 =	sadd.s32 s17, s10  }
0x5d: {  	[sflag:s12] =	ssyncadd.s32 $0xFFFFC000;
	s17 =	smov.u32 s18;
	s20 =	sadd.s32 $0x20, s18  }
0x5e: {  	[tilespmem:s3], [sflag:$0x2] =	stream.linear.gather [hbm4b:s19+s3], $0x100, $0x38;
	[tilespmem:$0x18100] =	vst v63  }
0x5f: {  	p1 =	sne.s32 s18, $0x860;
	_ =	swait.ge [sflag:s12], $0x100  }
0x60: {  	[sflag:s12] =	ssyncset.done $0x0  }
0x61: {  	[sflag:s12] =	ssyncadd.s32 $0xFFFFFF00  }
0x62: {  	[tilespmem:s14], [sflag:$0x1] =	stream.indirect.gather [hbm4b:s4+s13], $0x80, s3, s13, $0xb8;
	[tilespmem:$0x18100] =	vst v63  }
0x63: {  	_ =	swait.ge [sflag:s15], $0x4000  }
.Ltmp4:
0x64: {  	[sflag:s15] =	ssyncset.done $0x0;
	(pc) =	sbr.rel @p1 .LBB2_5-.Ltmp4, $4  }
0x65: {  	[sflag:s15] =	ssyncadd.s32 $0xFFFFC000  }
0x66: {  	[spmem:s2] =	stream.indirect.scatter.add.bf16 [tilespmem:s14], [sflag:$0x2], $0x80, s13, s13, $0xb8;
	[tilespmem:$0x18100] =	vst v63  }
0x67: {  	_ =	swait.ge [sflag:s12], $0x4000  }
0x68: {  	s18 =	smov.u32 s20;
	[sflag:s12] =	ssyncset.done $0x0  }
.Ltmp5:
0x69: {  	_ = 	snop;
	(pc) =	sbr.rel .LBB2_6-.Ltmp5, $1  }
0x6a: {  	_ =	sdelay $0x3  }
.LBB2_8:
0x6b: {  	_ =	sfence.sel $0x180000  }
0x6c: {  	[bflag:$0x0] =	sbarrier.arrive $0xFFFF  }
0x6d: {  	p0 =	sne.s32 s1, $0x0;
	_ =	strace $0x9000004D  }
0x6e: {  	s0 =	sadd.s32 @!p0 $0x100000, s0;
	[bflag:$0x2] =	sbarrier.arrive $0xFFFF  }
0x6f: {  	[sflag:s0] =	ssyncadd.tile.s32 @!p0 $0x1;
	_ =	shalt  }
.Lfunc_end2:
_tile_overlayer_lowered:
.L_overlay_start_2:
0x70: {  	(tag) =	ssettag $0x2  }
0x71: {  	s0 =	rddreg [dreg:$0x0];
	s2 =	stileid.u32  }
0x72: {  	s1 =	rddreg [dreg:$0x1];
	p0 =	sne.s32 s2, $0x0  }
0x73: {  	s3 =	rddreg [dreg:$0x2];
	[bflag:$0x3] =	sbarrier.arrive $0xFFFF;
	s2 =	simm.s32 @!p0 $0x1C02  }
0x74: {  	[timem:s3], [sflag:s2] =	dma.local @!p0 [hbm:s0], s1  }
0x75: {  	s0 =	simm.s32 @!p0 $0x2  }
0x76: {  	_ =	swait.ge @!p0 [sflag:s0], s1  }
0x77: {  	s1 =	ssub.s32 @!p0 $0x0, s1;
	[sflag:s0] =	ssyncset.done @!p0 $0x0  }
0x78: {  	[sflag:s0] =	ssyncadd.s32 @!p0 s1  }
0x79: {  	[bflag:$0x3] =	sbarrier.arrive $0xFFFF  }
0x7a: {  	_ =	shalt  }

// kernel: kernel.19.cloned.1.call-start
scs
__scs_entry_jumppad:
0x0: {  	(pc) =	sbr.rel $0x88, $3  }
0x1: {  	(tag) =	ssettag $0x0;
	lr =	simm.s32 $0x1  }
0x2: {  	[smem:$0x3F98] =	sst lr;
	_ =	strace $0xD0000000  }
0x3: {  	_ = 	snop  }
0x4: {  	_ = 	snop  }
0x5: {  	_ = 	snop  }
0x6: {  	_ = 	snop  }
0x7: {  	_ = 	snop  }
__scs_overlays_trampoline_lowered:
0x8: {  	[smem:$0x3FA7] =	sst s0  }
0x9: {  	[smem:$0x3FA8] =	sst s1  }
0xa: {  	[smem:$0x3FA9] =	sst s2  }
0xb: {  	[smem:$0x3FAA] =	sst s3  }
0xc: {  	[smem:$0x3FAB] =	sst s4  }
0xd: {  	[smem:$0x3FAC] =	sst s5  }
0xe: {  	[smem:$0x3FAD] =	sst s6  }
0xf: {  	[smem:$0x3FAE] =	sst s7  }
0x10: {  	[smem:$0x3FAF] =	sst s8  }
0x11: {  	[smem:$0x3FB0] =	sst s9;
	s0 =	simm.s32 @!p0 $0x0  }
0x12: {  	s1 =	sld [smem:$0x3F96];
	s0 =	simm.s32 @p0 $0x1  }
0x13: {  	[smem:$0x3FB1] =	sst s0;
	s0 =	simm.s32 @!p1 $0x0  }
0x14: {  	s2 =	sld [smem:$0x3F95];
	s0 =	simm.s32 @p1 $0x1  }
0x15: {  	[smem:$0x3FB2] =	sst s0;
	s0 =	simm.s32 @!p2 $0x0  }
0x16: {  	s3 =	sld [smem:$0x3FDB];
	s0 =	simm.s32 @p2 $0x1  }
0x17: {  	s4 =	simm.s32 $0x1BF5;
	[smem:$0x3FB4] =	sst s0  }
0x18: {  	s0 =	sld [smem:$0x3F97];
	_ =	swait.ge [sflag:s4], $0x0  }
0x19: {  	s7 =	sld [smem:$0x3F98]  }
0x1a: {  	s8 =	sadd.s32 $0xFFFFE003, lr  }
0x1b: {  	s9 =	sadd.s32 $0xFFFFFEF7, lr;
	s5 =	simm.s32 $0xFFFFFFFF;
	p2 =	slt.u32 s8, $0xFFFFF086  }
0x1c: {  	p1 =	slt.u32 s9, $0xF7A;
	s5 =	simm.s32 @!p2 $0x0  }
0x1d: {  	s5 =	simm.s32 @p1 $0x1;
	p0 =	seq.s32 s7, s2  }
0x1e: {  	s7 =	smul.u32 @!p0 $0xF7A, s2;
	p2 =	seq.s32 @!p0 s5, $0x0  }
0x1f: {  	s9 =	smul.u32 $0xF7A, s1;
	s8 =	simm.s32 @!p0 $0x1BF5;
	p2 =	por !p2, p0  }
0x20: {  	[sflag:s8] =	ssyncset.s32 @!p0 $0xFFFFF086;
	s6 =	sadd.s32 @!p0 s3, s7;
	s7 =	simm.s32 @!p0 $0x108  }
0x21: {  	s3 =	sadd.s32 s3, s9;
	s6 =	sadd.s32 @!p0 $0x88, s6;
	s7 =	simm.s32 @p2 $0x1082  }
0x22: {  	[simem:s7], [sflag:s8] =	dma.local @!p0 [hbm:s6], $0xF7A  }
0x23: {  	s9 =	sor.u32 $0xD0000000, s2;
	s6 =	simm.s32 $0x108;
	_ =	swait.ge @!p0 [sflag:s8], $0x0  }
0x24: {  	s3 =	sadd.s32 $0x88, s3;
	s6 =	simm.s32 @!p1 $0x1082;
	[sflag:s4] =	ssyncset.s32 $0xFFFFF086  }
0x25: {  	[simem:s6], [sflag:s4] =	dma.local [hbm:s3], $0xF7A  }
0x26: {  	[smem:$0x3F98] =	sst s1;
	(tag) =	ssettag s2;
	_ =	strace s9  }
0x27: {  	s1 =	sld [smem:$0x3FA8]  }
0x28: {  	s2 =	sld [smem:$0x3FA9]  }
0x29: {  	s4 =	sld [smem:$0x3FAB]  }
0x2a: {  	p0 =	seq.s32 s5, $0x0;
	s5 =	sld [smem:$0x3FAC]  }
0x2b: {  	s6 =	sld [smem:$0x3FAD]  }
0x2c: {  	s7 =	sld [smem:$0x3FAE]  }
0x2d: {  	s3 =	simm.s32 $0x108;
	s8 =	sld [smem:$0x3FAF]  }
0x2e: {  	s3 =	simm.s32 @!p0 $0x1082;
	s9 =	sld [smem:$0x3FB0]  }
0x2f: {  	lr =	sadd.s32 s0, s3;
	s0 =	sld [smem:$0x3FA7]  }
0x30: {  	s3 =	sld [smem:$0x3FAA]  }
0x31: {  	[smem:$0x3FB3] =	sst s10  }
0x32: {  	s10 =	sld [smem:$0x3FB1];
	_ =	sdelay $0x3  }
0x33: {  	p0 =	seq.s32 s10, $0x1;
	s10 =	sld [smem:$0x3FB3];
	_ =	sdelay $0x3  }
0x34: {  	[smem:$0x3FB3] =	sst s10  }
0x35: {  	s10 =	sld [smem:$0x3FB2];
	_ =	sdelay $0x3  }
0x36: {  	p1 =	seq.s32 s10, $0x1;
	s10 =	sld [smem:$0x3FB3];
	_ =	sdelay $0x3  }
0x37: {  	[smem:$0x3FB3] =	sst s10  }
0x38: {  	s10 =	sld [smem:$0x3FB4]  }
0x39: {  	_ = 	snop;
	(pc) =	sbr.ind lr, $3  }
0x3a: {  	_ = 	snop  }
0x3b: {  	_ = 	snop  }
0x3c: {  	p2 =	seq.s32 s10, $0x1;
	s10 =	sld [smem:$0x3FB3]  }
0x3d: {  	_ =	shalt  }
0x3e: {  	_ =	shalt  }
0x3f: {  	_ =	shalt  }
0x40: {  	_ =	shalt  }
0x41: {  	_ =	shalt  }
0x42: {  	_ =	shalt  }
0x43: {  	_ =	shalt  }
0x44: {  	_ =	shalt  }
0x45: {  	_ =	shalt  }
0x46: {  	_ =	shalt  }
0x47: {  	_ =	shalt  }
0x48: {  	_ =	shalt  }
0x49: {  	_ =	shalt  }
0x4a: {  	_ =	shalt  }
0x4b: {  	_ =	shalt  }
0x4c: {  	_ =	shalt  }
0x4d: {  	_ =	shalt  }
0x4e: {  	_ =	shalt  }
0x4f: {  	_ =	shalt  }
0x50: {  	_ =	shalt  }
0x51: {  	_ =	shalt  }
0x52: {  	_ =	shalt  }
0x53: {  	_ =	shalt  }
0x54: {  	_ =	shalt  }
0x55: {  	_ =	shalt  }
0x56: {  	_ =	shalt  }
0x57: {  	_ =	shalt  }
0x58: {  	_ =	shalt  }
0x59: {  	_ =	shalt  }
0x5a: {  	_ =	shalt  }
0x5b: {  	_ =	shalt  }
0x5c: {  	_ =	shalt  }
0x5d: {  	_ =	shalt  }
0x5e: {  	_ =	shalt  }
0x5f: {  	_ =	shalt  }
0x60: {  	_ =	shalt  }
0x61: {  	_ =	shalt  }
0x62: {  	_ =	shalt  }
0x63: {  	_ =	shalt  }
0x64: {  	_ =	shalt  }
0x65: {  	_ =	shalt  }
0x66: {  	_ =	shalt  }
0x67: {  	_ =	shalt  }
0x68: {  	_ =	shalt  }
0x69: {  	_ =	shalt  }
0x6a: {  	_ =	shalt  }
0x6b: {  	_ =	shalt  }
0x6c: {  	_ =	shalt  }
0x6d: {  	_ =	shalt  }
0x6e: {  	_ =	shalt  }
0x6f: {  	_ =	shalt  }
0x70: {  	_ =	shalt  }
0x71: {  	_ =	shalt  }
0x72: {  	_ =	shalt  }
0x73: {  	_ =	shalt  }
0x74: {  	_ =	shalt  }
0x75: {  	_ =	shalt  }
0x76: {  	_ =	shalt  }
0x77: {  	_ =	shalt  }
0x78: {  	_ =	shalt  }
0x79: {  	_ =	shalt  }
0x7a: {  	_ =	shalt  }
0x7b: {  	_ =	shalt  }
0x7c: {  	_ =	shalt  }
0x7d: {  	_ =	shalt  }
0x7e: {  	_ =	shalt  }
0x7f: {  	_ =	shalt  }
0x80: {  	_ =	shalt  }
0x81: {  	_ =	shalt  }
0x82: {  	_ =	shalt  }
0x83: {  	_ =	shalt  }
0x84: {  	_ =	shalt  }
0x85: {  	_ =	shalt  }
0x86: {  	_ =	shalt  }
0x87: {  	_ =	shalt  }
.Lfunc_end0:
.L_simem_size_0:
called_computation.3_lowered:
.L_overlay_start_0:
0x88: {  	s2 =	sld [smem:$0x3FD9]  }
0x89: {  	s3 =	sld [smem:$0x3FFE];
	_ =	sdelay $0x1  }
0x8a: {  	s1 =	srdreg.scid  }
0x8b: {  	s0 =	sand.u32 $0x1, s1  }
0x8c: {  	s16 =	sshll.u32 s0, $0xA;
	s2 =	sadd.s32 s3, s2  }
0x8d: {  	s2 =	sadd.s32 s2, s16  }
0x8e: {  	[smem:$0x3FBF] =	sst s2  }
0x8f: {  	_ = 	snop  }
0x90: {  	(tm) =	ssettm $0x1  }
0x91: {  	s17 =	sld [smem:$0x3FFB];
	_ =	sdelay $0x3  }
0x92: {  	_ =	strace s17  }
0x93: {  	s2 =	sld [smem:$0x3FFC];
	_ =	sdelay $0x3  }
0x94: {  	_ =	strace s2  }
0x95: {  	s2 =	sld [smem:$0x3FFD];
	_ =	sdelay $0x3  }
0x96: {  	_ =	strace s2  }
0x97: {  	_ =	strace $0x8FFFFFFF  }
0x98: {  	s18 =	sld [smem:$0x3FDB];
	_ =	sdelay $0x1  }
0x99: {  	s19 =	simm.s32 $_scs_section_size  }
0x9a: {  	s4 =	simm.s32 $_size__tile_overlayer_lowered;
	s5 =	simm.s32 $_tile_overlayer_lowered  }
0x9b: {  	s22 =	simm.s32 $0x1BFF;
	s21 =	sshll.u32 s5, $0x1;
	s2 =	sadd.s32 s19, s18  }
0x9c: {  	s6 =	simm.s32 $0x0;
	s20 =	sshll.u32 s4, $0x1;
	s4 =	sadd.s32 s21, s2  }
0x9d: {  	[timem:s6], [sflag:s22] =	dma.local [hbm:s4], s20  }
0x9e: {  	_ =	swait.ge [sflag:s22], s20  }
0x9f: {  	s3 =	ssub.s32 $0x0, s20;
	[sflag:s22] =	ssyncset.done $0x0  }
0xa0: {  	[sflag:s22] =	ssyncadd.s32 s3;
	_ =	sdelay $0x1  }
0xa1: {  	s23 =	simm.s32 $0x1B8B  }
0xa2: {  	_ =	swait.ge [sflag:s23], $0x1  }
0xa3: {  	[sflag:s23] =	ssyncset.done $0x0  }
0xa4: {  	s25 =	simm.s32 $0x1B8E;
	s24 =	sld [smem:$0x3FFE];
	[sflag:s23] =	ssyncadd.s32 $0xFFFFFFFF  }
0xa5: {  	s26 =	simm.s32 $execute0_lowered;
	[smem:$0x3FD2] =	sst s25  }
0xa6: {  	s4 =	sshll.u32 s26, $0x1;
	_ =	strace $0x8000004F;
	[dreg:$0x1] =	wrdreg $0xFFFFFFFF  }
0xa7: {  	s28 =	simm.s32 $_size_execute0_lowered;
	s2 =	sadd.s32 s2, s4;
	[dreg:$0x0] =	wrdreg $0x0  }
0xa8: {  	s4 =	sshll.u32 s28, $0x1;
	[dreg:$0x2] =	wrdreg s2  }
0xa9: {  	[dreg:$0x3] =	wrdreg s4  }
0xaa: {  	[dreg:$0x4] =	wrdreg $0xC0  }
0xab: {  	_ =	task [dreg:s6], $0x5FFFF  }
0xac: {  	[dreg:$0x1] =	wrdreg $0xFFFFFFFF  }
0xad: {  	[dreg:$0x0] =	wrdreg $0x60  }
0xae: {  	[dreg:$0x2] =	wrdreg s24  }
0xaf: {  	[dreg:$0x3] =	wrdreg $0x41000  }
0xb0: {  	[dreg:$0x4] =	wrdreg $0x9  }
0xb1: {  	_ =	task.clear_ibuf [dreg:s6], $0x5FFFF;
	_ =	strace $0x9000004F  }
0xb2: {  	s29 =	simm.s32 $0x9;
	_ =	strace $0x80000051  }
0xb3: {  	_ =	swait.ge [sflag:s29], $0x1  }
0xb4: {  	[sflag:s29] =	ssyncadd.s32 $0xFFFFFFFF  }
0xb5: {  	_ =	strace $0x90000051  }
0xb6: {  	_ =	sfence  }
0xb7: {  	s30 =	sld [smem:$0x0];
	_ =	sdelay $0x2  }
0xb8: {  	s31 =	sshll.u32 s1, $0xD;
	s1 =	sshrl.u32 s1, $0x2  }
0xb9: {  	s3 =	sand.u32 $0x4000, s31;
	s1 =	sadd.s32 s1, s30  }
0xba: {  	s0 =	sor.u32 s3, s0;
	s1 =	sshll.u32 s1, $0x11  }
0xbb: {  	s0 =	sor.u32 s1, s0  }
0xbc: {  	s0 =	sadd.s32 $0x8F2B, s0  }
0xbd: {  	[sflag:s0] =	ssyncadd.remote.s32 $0x1  }
0xbe: {  	_ =	sfence.sel $0xFFFF  }
0xbf: {  	[dreg:$0x0] =	wrdreg $0xFFFFFFFF;
	(pc) =	sbr.abs _section_cstart, $3  }
0xc0: {  	[dreg:$0x1] =	wrdreg $0xFFFFFFFF  }
0xc1: {  	_ =	task.clear_ibuf [dreg:s6], $0x2FFFF;
	_ =	strace $0x9FFFFFFF  }
0xc2: {  	(tm) =	ssettm $0x7FFFFFFF  }
0xc3: {  	_ =	shalt  }
tec
execute0_lowered:
.L_overlay_start_1:
0x0: {  	(tag) =	ssettag $0x1  }
0x1: {  	s5 =	rddreg [dreg:$0x0]  }
0x2: {  	s2 =	rddreg [dreg:$0x1]  }
0x3: {  	s0 =	rddreg [dreg:$0x2]  }
0x4: {  	s3 =	simm.s32 $0x0;
	s1 =	stileid.u32;
	s4 =	srdreg.scid  }
0x5: {  	s15 =	simm.s32 $0x1;
	[smem:$0x7FF] =	sst s3;
	s6 =	smul.u32 $0x14000, s1  }
0x6: {  	s16 =	sand.u32 $0x1, s4;
	s10 =	sadd.s32 $0x2600, s5;
	s26 =	smul.u32 $0x50000, s1  }
0x7: {  	s4 =	sadd.s32 $0x46E00, s5;
	s11 =	smul.u32 $0xE400, s1;
	s29 =	sshll.u32 s1, $0x6  }
0x8: {  	_ =	strace $0x80000050;
	s7 =	smul.u32 $0x140000, s16;
	s9 =	ssub.s32 $0x2, s16  }
0x9: {  	s13 =	smul.u32 $0x7200, s16;
	p0 =	seq.s32 s16, $0x0;
	s8 =	sshrl.u32 s6, $0x3  }
0xa: {  	s16 =	simm.s32 $0x0;
	s12 =	sshrl.u32 s9, $0x1;
	s8 =	sadd.s32 s8, s5  }
0xb: {  	s6 =	sadd.s32 s6, s7;
	s7 =	sshrl.u32 s26, $0x2;
	s9 =	ssub.s32 s9, s12  }
0xc: {  	s11 =	sadd.s32 s13, s11;
	s12 =	simm.s32 $0x2;
	s6 =	sshrl.u32 s6, $0x3  }
.Ltmp0:
0xd: {  	s28 =	sadd.s32 s7, s2;
	s13 =	sadd.s32 $0x2E00, s11;
	(pc) =	sbr.rel .LBB2_1-.Ltmp0, $4  }
0xe: {  	s30 =	sshrl.u32 s11, $0x3;
	s14 =	sadd.s32 s6, s5;
	s5 =	sadd.s32 $0x1EE00, s8  }
0xf: {  	s6 =	sor.u32 $0x1C02, s29;
	s8 =	smax.u32 s9, $0x1;
	s31 =	sshrl.u32 s13, $0x3  }
0x10: {  	s9 =	sadd.s32 s30, s10;
	s11 =	sshrl.u32 s28, $0x3;
	s13 =	simm.s32 $0x80  }
0x11: {  	s7 =	sadd.s32 $0x6EE00, s14;
	s10 =	sadd.s32 s31, s10;
	s14 =	simm.s32 $0x100  }
.LBB2_6:
0x12: {  	s17 =	sadd.s32 s17, s10;
	[sflag:s12] =	ssyncadd.s32 $0xFFFFC000  }
0x13: {  	[tilespmem:s3], [sflag:$0x2] =	stream.linear.gather [hbm4b:s17+s3], $0x100, $0x38;
	[tilespmem:$0x18100] =	vst v63  }
0x14: {  	_ =	swait.ge [sflag:s12], $0x100  }
0x15: {  	[sflag:s12] =	ssyncset.done $0x0  }
0x16: {  	[sflag:s12] =	ssyncadd.s32 $0xFFFFFF00  }
0x17: {  	[tilespmem:s14], [sflag:$0x1] =	stream.indirect.gather [hbm4b:s4+s13], $0x80, s3, s13, $0xb8;
	[tilespmem:$0x18100] =	vst v63  }
0x18: {  	_ =	swait.ge [sflag:s15], $0x4000  }
0x19: {  	[sflag:s15] =	ssyncset.done $0x0  }
0x1a: {  	[sflag:s15] =	ssyncadd.s32 $0xFFFFC000  }
0x1b: {  	[spmem:s2] =	stream.indirect.scatter.add.f32 [tilespmem:s14], [sflag:$0x2], $0x80, s13, s13, $0xb8;
	[tilespmem:$0x18100] =	vst v63  }
0x1c: {  	_ =	swait.ge [sflag:s12], $0x4000  }
0x1d: {  	[sflag:s12] =	ssyncset.done $0x0  }
0x1e: {  	[sflag:s12] =	ssyncadd.s32 $0xFFFFC000  }
.LBB2_7:
0x1f: {  	s16 =	sadd.s32 $0x1, s16  }
0x20: {  	p1 =	sne.s32 s16, s8  }
.Ltmp1:
0x21: {  	[bflag:$0x0] =	sbarrier.arrive $0xFFFF;
	(pc) =	sbr.rel @!p1 .LBB2_8-.Ltmp1, $4  }
0x22: {  	[hbm:s7], [sflag:s6] =	dma.local [spmem:s11], $0x2800  }
0x23: {  	_ =	swait.ge [sflag:s12], $0x2800  }
0x24: {  	[sflag:s12] =	ssyncset.done $0x0  }
0x25: {  	[sflag:s12] =	ssyncadd.s32 $0xFFFFD800  }
.LBB2_1:
0x26: {  	[spmem:s11], [sflag:s6] =	dma.local [hbm:s5], $0x2800  }
0x27: {  	_ =	swait.ge [sflag:s12], $0x2800  }
0x28: {  	[sflag:s12] =	ssyncset.done $0x0  }
0x29: {  	[sflag:s12] =	ssyncadd.s32 $0xFFFFD800  }
0x2a: {  	s17 =	sadd.s32 $0x0, s9;
	[bflag:$0x0] =	sbarrier.arrive $0xFFFF  }
0x2b: {  	[tilespmem:s3], [sflag:$0x2] =	stream.linear.gather [hbm4b:s17+s3], $0x100, $0x38;
	[tilespmem:$0x18100] =	vst v63  }
0x2c: {  	_ =	swait.ge [sflag:s12], $0x100  }
0x2d: {  	[sflag:s12] =	ssyncset.done $0x0  }
0x2e: {  	[sflag:s12] =	ssyncadd.s32 $0xFFFFFF00  }
0x2f: {  	[tilespmem:s14], [sflag:$0x1] =	stream.indirect.gather [hbm4b:s4+s13], $0x80, s3, s13, $0xb8;
	[tilespmem:$0x18100] =	vst v63  }
0x30: {  	_ =	swait.ge [sflag:s15], $0x4000  }
0x31: {  	[sflag:s15] =	ssyncset.done $0x0  }
0x32: {  	[sflag:s15] =	ssyncadd.s32 $0xFFFFC000  }
0x33: {  	[spmem:s2] =	stream.indirect.scatter.add.f32 [tilespmem:s14], [sflag:$0x2], $0x80, s13, s13, $0xb8;
	[tilespmem:$0x18100] =	vst v63  }
0x34: {  	_ =	swait.ge [sflag:s12], $0x4000  }
0x35: {  	s18 =	simm.s32 $0x40;
	s17 =	simm.s32 $0x20;
	[sflag:s12] =	ssyncset.done $0x0  }
.LBB2_2:
0x36: {  	s19 =	sadd.s32 s17, s9  }
0x37: {  	[sflag:s12] =	ssyncadd.s32 $0xFFFFC000;
	s17 =	smov.u32 s18;
	s20 =	sadd.s32 $0x20, s18  }
0x38: {  	[tilespmem:s3], [sflag:$0x2] =	stream.linear.gather [hbm4b:s19+s3], $0x100, $0x38;
	[tilespmem:$0x18100] =	vst v63  }
0x39: {  	p1 =	sne.s32 s18, $0x5A0;
	_ =	swait.ge [sflag:s12], $0x100  }
0x3a: {  	[sflag:s12] =	ssyncset.done $0x0  }
0x3b: {  	[sflag:s12] =	ssyncadd.s32 $0xFFFFFF00  }
0x3c: {  	[tilespmem:s14], [sflag:$0x1] =	stream.indirect.gather [hbm4b:s4+s13], $0x80, s3, s13, $0xb8;
	[tilespmem:$0x18100] =	vst v63  }
0x3d: {  	_ =	swait.ge [sflag:s15], $0x4000  }
.Ltmp2:
0x3e: {  	[sflag:s15] =	ssyncset.done $0x0;
	(pc) =	sbr.rel @p1 .LBB2_2-.Ltmp2, $4  }
0x3f: {  	[sflag:s15] =	ssyncadd.s32 $0xFFFFC000  }
0x40: {  	[spmem:s2] =	stream.indirect.scatter.add.f32 [tilespmem:s14], [sflag:$0x2], $0x80, s13, s13, $0xb8;
	[tilespmem:$0x18100] =	vst v63  }
0x41: {  	_ =	swait.ge [sflag:s12], $0x4000  }
0x42: {  	s18 =	smov.u32 s20;
	[sflag:s12] =	ssyncset.done $0x0  }
0x43: {  	s17 =	sadd.s32 s17, s9;
	[sflag:s12] =	ssyncadd.s32 $0xFFFFC000  }
0x44: {  	[tilespmem:s3], [sflag:$0x2] =	stream.linear.gather [hbm4b:s17+s3], $0x100, $0x38;
	[tilespmem:$0x18100] =	vst v63  }
0x45: {  	_ =	swait.ge [sflag:s12], $0x100  }
0x46: {  	[sflag:s12] =	ssyncset.done $0x0  }
0x47: {  	[sflag:s12] =	ssyncadd.s32 $0xFFFFFF00  }
0x48: {  	[tilespmem:s14], [sflag:$0x1] =	stream.indirect.gather [hbm4b:s4+s13], $0x80, s3, s13, $0xb8;
	[tilespmem:$0x18100] =	vst v63  }
0x49: {  	_ =	swait.ge [sflag:s15], $0x4000  }
0x4a: {  	[sflag:s15] =	ssyncset.done $0x0  }
.Ltmp3:
0x4b: {  	[sflag:s15] =	ssyncadd.s32 $0xFFFFC000;
	(pc) =	sbr.rel @p0 .LBB2_7-.Ltmp3, $4  }
0x4c: {  	[spmem:s2] =	stream.indirect.scatter.add.f32 [tilespmem:s14], [sflag:$0x2], $0x80, s13, s13, $0xb8;
	[tilespmem:$0x18100] =	vst v63  }
0x4d: {  	_ =	swait.ge [sflag:s12], $0x4000  }
0x4e: {  	[sflag:s12] =	ssyncset.done $0x0  }
0x4f: {  	[sflag:s12] =	ssyncadd.s32 $0xFFFFC000  }
0x50: {  	s17 =	sadd.s32 $0x0, s10  }
0x51: {  	[tilespmem:s3], [sflag:$0x2] =	stream.linear.gather [hbm4b:s17+s3], $0x100, $0x38;
	[tilespmem:$0x18100] =	vst v63  }
0x52: {  	_ =	swait.ge [sflag:s12], $0x100  }
0x53: {  	[sflag:s12] =	ssyncset.done $0x0  }
0x54: {  	[sflag:s12] =	ssyncadd.s32 $0xFFFFFF00  }
0x55: {  	[tilespmem:s14], [sflag:$0x1] =	stream.indirect.gather [hbm4b:s4+s13], $0x80, s3, s13, $0xb8;
	[tilespmem:$0x18100] =	vst v63  }
0x56: {  	_ =	swait.ge [sflag:s15], $0x4000  }
0x57: {  	[sflag:s15] =	ssyncset.done $0x0  }
0x58: {  	[sflag:s15] =	ssyncadd.s32 $0xFFFFC000  }
0x59: {  	[spmem:s2] =	stream.indirect.scatter.add.f32 [tilespmem:s14], [sflag:$0x2], $0x80, s13, s13, $0xb8;
	[tilespmem:$0x18100] =	vst v63  }
0x5a: {  	_ =	swait.ge [sflag:s12], $0x4000  }
0x5b: {  	s18 =	simm.s32 $0x40;
	s17 =	simm.s32 $0x20;
	[sflag:s12] =	ssyncset.done $0x0  }
.LBB2_5:
0x5c: {  	s19 =	sadd.s32 s17, s10  }
0x5d: {  	[sflag:s12] =	ssyncadd.s32 $0xFFFFC000;
	s17 =	smov.u32 s18;
	s20 =	sadd.s32 $0x20, s18  }
0x5e: {  	[tilespmem:s3], [sflag:$0x2] =	stream.linear.gather [hbm4b:s19+s3], $0x100, $0x38;
	[tilespmem:$0x18100] =	vst v63  }
0x5f: {  	p1 =	sne.s32 s18, $0x860;
	_ =	swait.ge [sflag:s12], $0x100  }
0x60: {  	[sflag:s12] =	ssyncset.done $0x0  }
0x61: {  	[sflag:s12] =	ssyncadd.s32 $0xFFFFFF00  }
0x62: {  	[tilespmem:s14], [sflag:$0x1] =	stream.indirect.gather [hbm4b:s4+s13], $0x80, s3, s13, $0xb8;
	[tilespmem:$0x18100] =	vst v63  }
0x63: {  	_ =	swait.ge [sflag:s15], $0x4000  }
.Ltmp4:
0x64: {  	[sflag:s15] =	ssyncset.done $0x0;
	(pc) =	sbr.rel @p1 .LBB2_5-.Ltmp4, $4  }
0x65: {  	[sflag:s15] =	ssyncadd.s32 $0xFFFFC000  }
0x66: {  	[spmem:s2] =	stream.indirect.scatter.add.f32 [tilespmem:s14], [sflag:$0x2], $0x80, s13, s13, $0xb8;
	[tilespmem:$0x18100] =	vst v63  }
0x67: {  	_ =	swait.ge [sflag:s12], $0x4000  }
0x68: {  	s18 =	smov.u32 s20;
	[sflag:s12] =	ssyncset.done $0x0  }
.Ltmp5:
0x69: {  	_ = 	snop;
	(pc) =	sbr.rel .LBB2_6-.Ltmp5, $1  }
0x6a: {  	_ =	sdelay $0x3  }
.LBB2_8:
0x6b: {  	_ =	sfence.sel $0x180000  }
0x6c: {  	[bflag:$0x0] =	sbarrier.arrive $0xFFFF  }
0x6d: {  	p0 =	sne.s32 s1, $0x0;
	_ =	strace $0x90000050  }
0x6e: {  	s0 =	sadd.s32 @!p0 $0x100000, s0;
	[bflag:$0x2] =	sbarrier.arrive $0xFFFF  }
0x6f: {  	[sflag:s0] =	ssyncadd.tile.s32 @!p0 $0x1;
	_ =	shalt  }
.Lfunc_end2:
_tile_overlayer_lowered:
.L_overlay_start_2:
0x70: {  	(tag) =	ssettag $0x2  }
0x71: {  	s0 =	rddreg [dreg:$0x0];
	s2 =	stileid.u32  }
0x72: {  	s1 =	rddreg [dreg:$0x1];
	p0 =	sne.s32 s2, $0x0  }
0x73: {  	s3 =	rddreg [dreg:$0x2];
	[bflag:$0x3] =	sbarrier.arrive $0xFFFF;
	s2 =	simm.s32 @!p0 $0x1C02  }
0x74: {  	[timem:s3], [sflag:s2] =	dma.local @!p0 [hbm:s0], s1  }
0x75: {  	s0 =	simm.s32 @!p0 $0x2  }
0x76: {  	_ =	swait.ge @!p0 [sflag:s0], s1  }
0x77: {  	s1 =	ssub.s32 @!p0 $0x0, s1;
	[sflag:s0] =	ssyncset.done @!p0 $0x0  }
0x78: {  	[sflag:s0] =	ssyncadd.s32 @!p0 s1  }
0x79: {  	[bflag:$0x3] =	sbarrier.arrive $0xFFFF  }
0x7a: {  	_ =	shalt  }

</sc_bundles>
